<compile_context>
chip_gen: v7x
topology: tpu7x:2x2x1
jax: 0.10.2.dev20260603
libtpu: 0.0.44.dev20260713+nightly
codegen_flags: <defaults>
</compile_context>

<pallas_src>
import functools

import jax
import jax.numpy as jnp
from jax import lax
from jax.experimental import pallas as pl
from jax.experimental.pallas import tpu as pltpu
from jax.experimental.pallas import tpu_sc as plsc

B = 16384
D_ITEM = 64
D_SPARSE = 32
MM_DIM = 128
D_MM = 32
DNN_HID = 256
HID_OUT = 128

_NC = 2
_NS = 16
_NW = _NC * _NS
_BPW = B // _NW
_CHUNK = 128
_NCHUNK = _BPW // _CHUNK

_BLK = 1024
_GRID = B // _BLK


def _sc_gather_body(seq2_ref, cate_ref, brand_ref, shop_ref, tag_ref,
                    t_item2, t_sp4,
                    o_item, o_cate, o_brand, o_shop, o_tag,
                    idx_it, idx_sp,
                    r_item, r_sp,
                    s_item, s_sp):
    wid = lax.axis_index("s") * _NC + lax.axis_index("c")
    base = wid * _BPW
    in_refs = (seq2_ref, cate_ref, brand_ref, shop_ref, tag_ref)
    outs = (o_item, o_cate, o_brand, o_shop, o_tag)
    half = _BPW // 2

    pltpu.sync_copy(in_refs[0].at[pl.ds(base, _BPW)], idx_it)
    item_handles = []
    for j in range(_NCHUNK):
        item_handles.append(pltpu.async_copy(
            t_item2.at[idx_it.at[pl.ds(j * _CHUNK, _CHUNK)]],
            r_item.at[pl.ds(j * _CHUNK, _CHUNK)],
            s_item))

    for i in range(1, 5):
        pltpu.sync_copy(in_refs[i].at[pl.ds(base, _BPW)], idx_sp)
        for w in range(2):
            hs = []
            for j in range(_NCHUNK // 2):
                c = w * (_NCHUNK // 2) + j
                hs.append(pltpu.async_copy(
                    t_sp4.at[idx_sp.at[pl.ds(c * _CHUNK, _CHUNK)]],
                    r_sp.at[pl.ds(j * _CHUNK, _CHUNK)],
                    s_sp))
            for h in hs:
                h.wait()
            pltpu.sync_copy(r_sp, outs[i].at[pl.ds(base + w * half, half)])

    for h in item_handles:
        h.wait()
    pltpu.sync_copy(r_item, o_item.at[pl.ds(base, _BPW)])


@jax.jit
def _sc_gather(seq2, cate_id, brand_id, shop_id, tag_id, t_item2, t_sp4):
    mesh = plsc.VectorSubcoreMesh(core_axis_name="c", subcore_axis_name="s")
    f32 = jnp.float32
    out_type = [jax.ShapeDtypeStruct((B, 128), f32) for _ in range(5)]
    scratch = (
        [pltpu.VMEM((_BPW,), jnp.int32), pltpu.VMEM((_BPW,), jnp.int32)]
        + [pltpu.VMEM((_BPW, 128), f32), pltpu.VMEM((_BPW // 2, 128), f32)]
        + [pltpu.SemaphoreType.DMA, pltpu.SemaphoreType.DMA]
    )
    return pl.kernel(
        _sc_gather_body,
        out_type=out_type,
        mesh=mesh,
        scratch_types=scratch,
        compiler_params=pltpu.CompilerParams(use_tc_tiling_on_sc=True),
    )(seq2, cate_id, brand_id, shop_id, tag_id, t_item2, t_sp4)


def _mlp_body(gi2, par, gc, gb, gs, gt, dns, mm,
              mmW, mmb, w1i, w1c, w1b, w1s, w1t, w1d, w1m, b1, w2, b2,
              out):
    f32 = jnp.float32
    gi = jnp.where(par[...] > 0, gi2[..., D_ITEM:], gi2[..., :D_ITEM])
    acc = jnp.dot(gi, w1i[...], preferred_element_type=f32)
    acc += jnp.dot(gc[..., 0:32], w1c[...], preferred_element_type=f32)
    acc += jnp.dot(gb[..., 32:64], w1b[...], preferred_element_type=f32)
    acc += jnp.dot(gs[..., 64:96], w1s[...], preferred_element_type=f32)
    acc += jnp.dot(gt[..., 96:128], w1t[...], preferred_element_type=f32)
    acc += jnp.dot(dns[...], w1d[...], preferred_element_type=f32)
    mmp = jnp.dot(mm[...], mmW[...], preferred_element_type=f32) + mmb[...]
    acc += jnp.dot(mmp, w1m[...], preferred_element_type=f32)
    acc += b1[...]
    h = jnp.maximum(acc, 0.0)
    out[...] = jnp.dot(h, w2[...], preferred_element_type=f32) + b2[...]


def _full(shape):
    return pl.BlockSpec(shape, lambda i: (0, 0))


def _mlp(gi2, par, gc, gb, gs, gt, dns, mm, mmW, mmb,
         w1i, w1c, w1b, w1s, w1t, w1d, w1m, b1, w2, b2):
    blk = lambda d: pl.BlockSpec((_BLK, d), lambda i: (i, 0))
    in_specs = [
        blk(128), blk(1),
        blk(128), blk(128), blk(128), blk(128),
        blk(3), blk(MM_DIM),
        _full((MM_DIM, D_MM)), _full((1, D_MM)),
        _full((D_ITEM, DNN_HID)),
        _full((D_SPARSE, DNN_HID)), _full((D_SPARSE, DNN_HID)),
        _full((D_SPARSE, DNN_HID)), _full((D_SPARSE, DNN_HID)),
        _full((3, DNN_HID)), _full((D_MM, DNN_HID)),
        _full((1, DNN_HID)),
        _full((DNN_HID, HID_OUT)), _full((1, HID_OUT)),
    ]
    return pl.pallas_call(
        _mlp_body,
        grid=(_GRID,),
        in_specs=in_specs,
        out_specs=pl.BlockSpec((_BLK, HID_OUT), lambda i: (i, 0)),
        out_shape=jax.ShapeDtypeStruct((B, HID_OUT), jnp.float32),
        compiler_params=pltpu.CompilerParams(
            dimension_semantics=("arbitrary",)),
    )(gi2, par, gc, gb, gs, gt, dns, mm, mmW, mmb,
      w1i, w1c, w1b, w1s, w1t, w1d, w1m, b1, w2, b2)


def kernel(seq_id, cate_id, brand_id, shop_id, tag_id,
           dense_0, dense_1, dense_2, mm_emb_0,
           emb_item, emb_cate, emb_brand, emb_shop, emb_tag,
           mm_W, mm_b, W1, b1, W2, b2):
    i32 = jnp.int32
    seq = seq_id.astype(i32)
    t_item2 = emb_item[:1000000].reshape(500000, 128)
    t_sp4 = jnp.concatenate(
        [emb_cate[:100000], emb_brand[:100000],
         emb_shop[:100000], emb_tag[:100000]], axis=1)
    gi2, gc, gb, gs, gt = _sc_gather(
        seq >> 1, cate_id.astype(i32), brand_id.astype(i32),
        shop_id.astype(i32), tag_id.astype(i32),
        t_item2, t_sp4)
    par = (seq & 1).astype(jnp.float32).reshape(B, 1)

    dns = jnp.stack([dense_0, dense_1, dense_2], axis=1)
    w1i = W1[:D_ITEM]
    o = D_ITEM
    w1c = W1[o:o + D_SPARSE]; o += D_SPARSE
    w1b = W1[o:o + D_SPARSE]; o += D_SPARSE
    w1s = W1[o:o + D_SPARSE]; o += D_SPARSE
    w1t = W1[o:o + D_SPARSE]; o += D_SPARSE
    w1d = W1[o:o + 3]; o += 3
    w1m = W1[o:o + D_MM]

    return _mlp(gi2, par, gc, gb, gs, gt, dns, mm_emb_0,
                mm_W, mm_b.reshape(1, -1),
                w1i, w1c, w1b, w1s, w1t, w1d, w1m,
                b1.reshape(1, -1), W2, b2.reshape(1, -1))

# --- scband reference (transcript-rebuilt; emitter-appended) ---
"""Pipeline reference for scband-item-tower-60266981097756 (READ-ONLY COPY).

The authoritative reference and input builder live on the scoring server;
editing this copy changes nothing except your own understanding.
"""

import jax, jax.numpy as jnp
import numpy as np

B = 16384
VOCAB_ITEM = 1000000
VOCAB_SPARSE = 100000
D_ITEM = 64
D_SPARSE = 32
MM_DIM = 128
D_MM = 32
DNN_IN = D_ITEM + 4 * D_SPARSE + 3 + D_MM  # 227
DNN_HID = 256
HID_OUT = 128


def setup_inputs(seed: int = 0):
    key = jax.random.key(seed)
    ks = jax.random.split(key, 20)
    inp = {}
    inp["seq_id"] = jax.random.randint(ks[0], (B,), 0, VOCAB_ITEM)
    for i, name in enumerate(["cate_id", "brand_id", "shop_id", "tag_id"]):
        inp[name] = jax.random.randint(ks[1 + i], (B,), 0, VOCAB_SPARSE)
    for i in range(3):
        inp[f"dense_{i}"] = jax.random.uniform(ks[5 + i], (B,), dtype=jnp.float32)
    inp["mm_emb_0"] = jax.random.normal(ks[8], (B, MM_DIM), dtype=jnp.float32)
    # Embedding tables (padding_idx=0 -> row 0 zeroed, table size = vocab + 1)
    inp["emb_item"] = (jax.random.normal(ks[9], (VOCAB_ITEM + 1, D_ITEM), dtype=jnp.float32) * 0.02).at[0].set(0.0)
    for i, name in enumerate(["emb_cate", "emb_brand", "emb_shop", "emb_tag"]):
        inp[name] = (jax.random.normal(ks[10 + i], (VOCAB_SPARSE + 1, D_SPARSE), dtype=jnp.float32) * 0.02).at[0].set(0.0)
    inp["mm_W"] = jax.random.normal(ks[14], (MM_DIM, D_MM), dtype=jnp.float32) * 0.05
    inp["mm_b"] = jnp.zeros((D_MM,), dtype=jnp.float32)
    inp["W1"] = jax.random.normal(ks[15], (DNN_IN, DNN_HID), dtype=jnp.float32) * 0.05
    inp["b1"] = jnp.zeros((DNN_HID,), dtype=jnp.float32)
    inp["W2"] = jax.random.normal(ks[16], (DNN_HID, HID_OUT), dtype=jnp.float32) * 0.05
    inp["b2"] = jnp.zeros((HID_OUT,), dtype=jnp.float32)
    return inp


def reference(seq_id, cate_id, brand_id, shop_id, tag_id,
              dense_0, dense_1, dense_2, mm_emb_0,
              emb_item, emb_cate, emb_brand, emb_shop, emb_tag,
              mm_W, mm_b, W1, b1, W2, b2):
    feat_emb_list = [
        jnp.take(emb_item, seq_id, axis=0),
        jnp.take(emb_cate, cate_id, axis=0),
        jnp.take(emb_brand, brand_id, axis=0),
        jnp.take(emb_shop, shop_id, axis=0),
        jnp.take(emb_tag, tag_id, axis=0),
        dense_0[:, None],
        dense_1[:, None],
        dense_2[:, None],
        mm_emb_0 @ mm_W + mm_b,  # dropout disabled (eval/deterministic)
    ]
    item_features = jnp.concatenate(feat_emb_list, axis=-1)
    h = jax.nn.relu(item_features @ W1 + b1)
    return h @ W2 + b2

if __name__ == "__main__":
    import jax
    _d = setup_inputs()
    print(jax.jit(kernel)(*tuple(_d.values())))

</pallas_src>

<mosaic_0001>
#map = affine_map<(d0, d1) -> (0)>
#map1 = affine_map<(d0, d1) -> (0, 0)>
module attributes {stable_mosaic.version = 14 : i64} {
  func.func @_sc_gather_body(%arg0: i32, %arg1: i32, %arg2: memref<16384xi32, #tpu.memory_space<hbm>>, %arg3: memref<16384xi32, #tpu.memory_space<hbm>>, %arg4: memref<16384xi32, #tpu.memory_space<hbm>>, %arg5: memref<16384xi32, #tpu.memory_space<hbm>>, %arg6: memref<16384xi32, #tpu.memory_space<hbm>>, %arg7: memref<500000x128xf32, #tpu.memory_space<hbm>>, %arg8: memref<100000x128xf32, #tpu.memory_space<hbm>>, %arg9: memref<16384x128xf32, #tpu.memory_space<hbm>>, %arg10: memref<16384x128xf32, #tpu.memory_space<hbm>>, %arg11: memref<16384x128xf32, #tpu.memory_space<hbm>>, %arg12: memref<16384x128xf32, #tpu.memory_space<hbm>>, %arg13: memref<16384x128xf32, #tpu.memory_space<hbm>>, %arg14: memref<512xi32, #tpu.memory_space<vmem>>, %arg15: memref<512xi32, #tpu.memory_space<vmem>>, %arg16: memref<512x128xf32, #tpu.memory_space<vmem>>, %arg17: memref<256x128xf32, #tpu.memory_space<vmem>>, %arg18: memref<!tpu.dma_semaphore, #tpu.memory_space<semaphore_mem>>, %arg19: memref<!tpu.dma_semaphore, #tpu.memory_space<semaphore_mem>>) attributes {dimension_semantics = [#tpu.dimension_semantics<core_parallel>, #tpu.dimension_semantics<subcore_parallel>], iteration_bounds = array<i64: 2, 16>, scalar_prefetch = 0 : i64, scratch_operands = 6 : i64, tpu.core_type = #tpu.core_type<sc_vector_subcore>, window_params = [{transform_indices = #map}, {transform_indices = #map}, {transform_indices = #map}, {transform_indices = #map}, {transform_indices = #map}, {transform_indices = #map1}, {transform_indices = #map1}, {transform_indices = #map1}, {transform_indices = #map1}, {transform_indices = #map1}, {transform_indices = #map1}, {transform_indices = #map1}]} {
    %mul3A = arith.constant 2 : i32
    %mul3A_0 = arith.muli %arg1, %mul3A : i32
    %add3A = arith.addi %mul3A_0, %arg0 : i32
    %mul3A_1 = arith.constant 512 : i32
    %mul3A_2 = arith.muli %add3A, %mul3A_1 : i32
    "tpu.region"() ({
      %run_scoped3A = tpu.sem_alloc : memref<!tpu.dma_semaphore, #tpu.memory_space<semaphore_mem>>
      %dma_start3A_337 = tpu.memref_slice %arg2[%mul3A_2] : memref<16384xi32, #tpu.memory_space<hbm>> -> memref<512xi32, #tpu.memory_space<hbm>>
      %dma_start3A_338 = tpu.memref_slice %arg2[%mul3A_2] : memref<16384xi32, #tpu.memory_space<hbm>> -> memref<512xi32, #tpu.memory_space<hbm>>
      tpu.enqueue_dma source(%dma_start3A_338 : memref<512xi32, #tpu.memory_space<hbm>>) target(%arg14 : memref<512xi32, #tpu.memory_space<vmem>>) target_semaphore(%run_scoped3A : memref<!tpu.dma_semaphore, #tpu.memory_space<semaphore_mem>>)
      %dma_wait3A_339 = tpu.memref_slice %arg2[%mul3A_2] : memref<16384xi32, #tpu.memory_space<hbm>> -> memref<512xi32, #tpu.memory_space<hbm>>
      %dma_wait3A_340 = tpu.memref_slice %arg2[%mul3A_2] : memref<16384xi32, #tpu.memory_space<hbm>> -> memref<512xi32, #tpu.memory_space<hbm>>
      tpu.wait_dma2 semaphore(%run_scoped3A : memref<!tpu.dma_semaphore, #tpu.memory_space<semaphore_mem>>) src(%dma_wait3A_340 : memref<512xi32, #tpu.memory_space<hbm>>) dst(%arg14 : memref<512xi32, #tpu.memory_space<vmem>>)
      tpu.yield
    }) : () -> ()
    %dma_start3A = arith.constant 0 : i32
    %dma_start3A_3 = arith.constant 0 : i32
    %dma_start3A_4 = tpu.memref_slice %arg16[%dma_start3A, %dma_start3A_3] : memref<512x128xf32, #tpu.memory_space<vmem>> -> memref<128x128xf32, #tpu.memory_space<vmem>>
    %dma_start3A_5 = arith.constant 0 : i32
    %dma_start3A_6 = tpu.memref_slice %arg14[%dma_start3A_5] : memref<512xi32, #tpu.memory_space<vmem>> -> memref<128xi32, #tpu.memory_space<vmem>>
    %dma_start3A_7 = arith.constant 0 : i32
    %dma_start3A_8 = arith.constant 0 : i32
    %dma_start3A_9 = tpu.memref_slice %arg7[%dma_start3A_7, %dma_start3A_8] : memref<500000x128xf32, #tpu.memory_space<hbm>> -> memref<500000x128xf32, #tpu.memory_space<hbm>>
    tpu.enqueue_indirect_dma source(%dma_start3A_9 : memref<500000x128xf32, #tpu.memory_space<hbm>>) target(%dma_start3A_4 : memref<128x128xf32, #tpu.memory_space<vmem>>) offsets(%dma_start3A_6 : memref<128xi32, #tpu.memory_space<vmem>>) semaphore(%arg18 : memref<!tpu.dma_semaphore, #tpu.memory_space<semaphore_mem>>)
    %dma_start3A_10 = arith.constant 128 : i32
    %dma_start3A_11 = arith.constant 0 : i32
    %dma_start3A_12 = tpu.memref_slice %arg16[%dma_start3A_10, %dma_start3A_11] : memref<512x128xf32, #tpu.memory_space<vmem>> -> memref<128x128xf32, #tpu.memory_space<vmem>>
    %dma_start3A_13 = arith.constant 128 : i32
    %dma_start3A_14 = tpu.memref_slice %arg14[%dma_start3A_13] : memref<512xi32, #tpu.memory_space<vmem>> -> memref<128xi32, #tpu.memory_space<vmem>>
    %dma_start3A_15 = arith.constant 0 : i32
    %dma_start3A_16 = arith.constant 0 : i32
    %dma_start3A_17 = tpu.memref_slice %arg7[%dma_start3A_15, %dma_start3A_16] : memref<500000x128xf32, #tpu.memory_space<hbm>> -> memref<500000x128xf32, #tpu.memory_space<hbm>>
    tpu.enqueue_indirect_dma source(%dma_start3A_17 : memref<500000x128xf32, #tpu.memory_space<hbm>>) target(%dma_start3A_12 : memref<128x128xf32, #tpu.memory_space<vmem>>) offsets(%dma_start3A_14 : memref<128xi32, #tpu.memory_space<vmem>>) semaphore(%arg18 : memref<!tpu.dma_semaphore, #tpu.memory_space<semaphore_mem>>)
    %dma_start3A_18 = arith.constant 256 : i32
    %dma_start3A_19 = arith.constant 0 : i32
    %dma_start3A_20 = tpu.memref_slice %arg16[%dma_start3A_18, %dma_start3A_19] : memref<512x128xf32, #tpu.memory_space<vmem>> -> memref<128x128xf32, #tpu.memory_space<vmem>>
    %dma_start3A_21 = arith.constant 256 : i32
    %dma_start3A_22 = tpu.memref_slice %arg14[%dma_start3A_21] : memref<512xi32, #tpu.memory_space<vmem>> -> memref<128xi32, #tpu.memory_space<vmem>>
    %dma_start3A_23 = arith.constant 0 : i32
    %dma_start3A_24 = arith.constant 0 : i32
    %dma_start3A_25 = tpu.memref_slice %arg7[%dma_start3A_23, %dma_start3A_24] : memref<500000x128xf32, #tpu.memory_space<hbm>> -> memref<500000x128xf32, #tpu.memory_space<hbm>>
    tpu.enqueue_indirect_dma source(%dma_start3A_25 : memref<500000x128xf32, #tpu.memory_space<hbm>>) target(%dma_start3A_20 : memref<128x128xf32, #tpu.memory_space<vmem>>) offsets(%dma_start3A_22 : memref<128xi32, #tpu.memory_space<vmem>>) semaphore(%arg18 : memref<!tpu.dma_semaphore, #tpu.memory_space<semaphore_mem>>)
    %dma_start3A_26 = arith.constant 384 : i32
    %dma_start3A_27 = arith.constant 0 : i32
    %dma_start3A_28 = tpu.memref_slice %arg16[%dma_start3A_26, %dma_start3A_27] : memref<512x128xf32, #tpu.memory_space<vmem>> -> memref<128x128xf32, #tpu.memory_space<vmem>>
    %dma_start3A_29 = arith.constant 384 : i32
    %dma_start3A_30 = tpu.memref_slice %arg14[%dma_start3A_29] : memref<512xi32, #tpu.memory_space<vmem>> -> memref<128xi32, #tpu.memory_space<vmem>>
    %dma_start3A_31 = arith.constant 0 : i32
    %dma_start3A_32 = arith.constant 0 : i32
    %dma_start3A_33 = tpu.memref_slice %arg7[%dma_start3A_31, %dma_start3A_32] : memref<500000x128xf32, #tpu.memory_space<hbm>> -> memref<500000x128xf32, #tpu.memory_space<hbm>>
    tpu.enqueue_indirect_dma source(%dma_start3A_33 : memref<500000x128xf32, #tpu.memory_space<hbm>>) target(%dma_start3A_28 : memref<128x128xf32, #tpu.memory_space<vmem>>) offsets(%dma_start3A_30 : memref<128xi32, #tpu.memory_space<vmem>>) semaphore(%arg18 : memref<!tpu.dma_semaphore, #tpu.memory_space<semaphore_mem>>)
    "tpu.region"() ({
      %run_scoped3A = tpu.sem_alloc : memref<!tpu.dma_semaphore, #tpu.memory_space<semaphore_mem>>
      %dma_start3A_337 = tpu.memref_slice %arg3[%mul3A_2] : memref<16384xi32, #tpu.memory_space<hbm>> -> memref<512xi32, #tpu.memory_space<hbm>>
      %dma_start3A_338 = tpu.memref_slice %arg3[%mul3A_2] : memref<16384xi32, #tpu.memory_space<hbm>> -> memref<512xi32, #tpu.memory_space<hbm>>
      tpu.enqueue_dma source(%dma_start3A_338 : memref<512xi32, #tpu.memory_space<hbm>>) target(%arg15 : memref<512xi32, #tpu.memory_space<vmem>>) target_semaphore(%run_scoped3A : memref<!tpu.dma_semaphore, #tpu.memory_space<semaphore_mem>>)
      %dma_wait3A_339 = tpu.memref_slice %arg3[%mul3A_2] : memref<16384xi32, #tpu.memory_space<hbm>> -> memref<512xi32, #tpu.memory_space<hbm>>
      %dma_wait3A_340 = tpu.memref_slice %arg3[%mul3A_2] : memref<16384xi32, #tpu.memory_space<hbm>> -> memref<512xi32, #tpu.memory_space<hbm>>
      tpu.wait_dma2 semaphore(%run_scoped3A : memref<!tpu.dma_semaphore, #tpu.memory_space<semaphore_mem>>) src(%dma_wait3A_340 : memref<512xi32, #tpu.memory_space<hbm>>) dst(%arg15 : memref<512xi32, #tpu.memory_space<vmem>>)
      tpu.yield
    }) : () -> ()
    %dma_start3A_34 = arith.constant 0 : i32
    %dma_start3A_35 = arith.constant 0 : i32
    %dma_start3A_36 = tpu.memref_slice %arg17[%dma_start3A_34, %dma_start3A_35] : memref<256x128xf32, #tpu.memory_space<vmem>> -> memref<128x128xf32, #tpu.memory_space<vmem>>
    %dma_start3A_37 = arith.constant 0 : i32
    %dma_start3A_38 = tpu.memref_slice %arg15[%dma_start3A_37] : memref<512xi32, #tpu.memory_space<vmem>> -> memref<128xi32, #tpu.memory_space<vmem>>
    %dma_start3A_39 = arith.constant 0 : i32
    %dma_start3A_40 = arith.constant 0 : i32
    %dma_start3A_41 = tpu.memref_slice %arg8[%dma_start3A_39, %dma_start3A_40] : memref<100000x128xf32, #tpu.memory_space<hbm>> -> memref<100000x128xf32, #tpu.memory_space<hbm>>
    tpu.enqueue_indirect_dma source(%dma_start3A_41 : memref<100000x128xf32, #tpu.memory_space<hbm>>) target(%dma_start3A_36 : memref<128x128xf32, #tpu.memory_space<vmem>>) offsets(%dma_start3A_38 : memref<128xi32, #tpu.memory_space<vmem>>) semaphore(%arg19 : memref<!tpu.dma_semaphore, #tpu.memory_space<semaphore_mem>>)
    %dma_start3A_42 = arith.constant 128 : i32
    %dma_start3A_43 = arith.constant 0 : i32
    %dma_start3A_44 = tpu.memref_slice %arg17[%dma_start3A_42, %dma_start3A_43] : memref<256x128xf32, #tpu.memory_space<vmem>> -> memref<128x128xf32, #tpu.memory_space<vmem>>
    %dma_start3A_45 = arith.constant 128 : i32
    %dma_start3A_46 = tpu.memref_slice %arg15[%dma_start3A_45] : memref<512xi32, #tpu.memory_space<vmem>> -> memref<128xi32, #tpu.memory_space<vmem>>
    %dma_start3A_47 = arith.constant 0 : i32
    %dma_start3A_48 = arith.constant 0 : i32
    %dma_start3A_49 = tpu.memref_slice %arg8[%dma_start3A_47, %dma_start3A_48] : memref<100000x128xf32, #tpu.memory_space<hbm>> -> memref<100000x128xf32, #tpu.memory_space<hbm>>
    tpu.enqueue_indirect_dma source(%dma_start3A_49 : memref<100000x128xf32, #tpu.memory_space<hbm>>) target(%dma_start3A_44 : memref<128x128xf32, #tpu.memory_space<vmem>>) offsets(%dma_start3A_46 : memref<128xi32, #tpu.memory_space<vmem>>) semaphore(%arg19 : memref<!tpu.dma_semaphore, #tpu.memory_space<semaphore_mem>>)
    %dma_wait3A = arith.constant 0 : i32
    %dma_wait3A_50 = arith.constant 0 : i32
    %dma_wait3A_51 = tpu.memref_slice %arg17[%dma_wait3A, %dma_wait3A_50] : memref<256x128xf32, #tpu.memory_space<vmem>> -> memref<128x128xf32, #tpu.memory_space<vmem>>
    %dma_wait3A_52 = arith.constant 0 : i32
    %dma_wait3A_53 = tpu.memref_slice %arg15[%dma_wait3A_52] : memref<512xi32, #tpu.memory_space<vmem>> -> memref<128xi32, #tpu.memory_space<vmem>>
    %dma_wait3A_54 = arith.constant 0 : i32
    %dma_wait3A_55 = arith.constant 0 : i32
    %dma_wait3A_56 = tpu.memref_slice %arg8[%dma_wait3A_54, %dma_wait3A_55] : memref<100000x128xf32, #tpu.memory_space<hbm>> -> memref<100000x128xf32, #tpu.memory_space<hbm>>
    tpu.wait_indirect_dma semaphore(%arg19 : memref<!tpu.dma_semaphore, #tpu.memory_space<semaphore_mem>>) src(%dma_wait3A_56 : memref<100000x128xf32, #tpu.memory_space<hbm>>) dst(%dma_wait3A_51 : memref<128x128xf32, #tpu.memory_space<vmem>>)
    %dma_wait3A_57 = arith.constant 128 : i32
    %dma_wait3A_58 = arith.constant 0 : i32
    %dma_wait3A_59 = tpu.memref_slice %arg17[%dma_wait3A_57, %dma_wait3A_58] : memref<256x128xf32, #tpu.memory_space<vmem>> -> memref<128x128xf32, #tpu.memory_space<vmem>>
    %dma_wait3A_60 = arith.constant 128 : i32
    %dma_wait3A_61 = tpu.memref_slice %arg15[%dma_wait3A_60] : memref<512xi32, #tpu.memory_space<vmem>> -> memref<128xi32, #tpu.memory_space<vmem>>
    %dma_wait3A_62 = arith.constant 0 : i32
    %dma_wait3A_63 = arith.constant 0 : i32
    %dma_wait3A_64 = tpu.memref_slice %arg8[%dma_wait3A_62, %dma_wait3A_63] : memref<100000x128xf32, #tpu.memory_space<hbm>> -> memref<100000x128xf32, #tpu.memory_space<hbm>>
    tpu.wait_indirect_dma semaphore(%arg19 : memref<!tpu.dma_semaphore, #tpu.memory_space<semaphore_mem>>) src(%dma_wait3A_64 : memref<100000x128xf32, #tpu.memory_space<hbm>>) dst(%dma_wait3A_59 : memref<128x128xf32, #tpu.memory_space<vmem>>)
    %add3A_65 = arith.constant 0 : i32
    %add3A_66 = arith.addi %mul3A_2, %add3A_65 : i32
    "tpu.region"() ({
      %run_scoped3A = tpu.sem_alloc : memref<!tpu.dma_semaphore, #tpu.memory_space<semaphore_mem>>
      %dma_start3A_337 = arith.constant 0 : i32
      %dma_start3A_338 = tpu.memref_slice %arg10[%add3A_66, %dma_start3A_337] : memref<16384x128xf32, #tpu.memory_space<hbm>> -> memref<256x128xf32, #tpu.memory_space<hbm>>
      %dma_start3A_339 = arith.constant 0 : i32
      %dma_start3A_340 = tpu.memref_slice %arg10[%add3A_66, %dma_start3A_339] : memref<16384x128xf32, #tpu.memory_space<hbm>> -> memref<256x128xf32, #tpu.memory_space<hbm>>
      tpu.enqueue_dma source(%arg17 : memref<256x128xf32, #tpu.memory_space<vmem>>) target(%dma_start3A_340 : memref<256x128xf32, #tpu.memory_space<hbm>>) target_semaphore(%run_scoped3A : memref<!tpu.dma_semaphore, #tpu.memory_space<semaphore_mem>>)
      %dma_wait3A_341 = arith.constant 0 : i32
      %dma_wait3A_342 = tpu.memref_slice %arg10[%add3A_66, %dma_wait3A_341] : memref<16384x128xf32, #tpu.memory_space<hbm>> -> memref<256x128xf32, #tpu.memory_space<hbm>>
      %dma_wait3A_343 = arith.constant 0 : i32
      %dma_wait3A_344 = tpu.memref_slice %arg10[%add3A_66, %dma_wait3A_343] : memref<16384x128xf32, #tpu.memory_space<hbm>> -> memref<256x128xf32, #tpu.memory_space<hbm>>
      tpu.wait_dma2 semaphore(%run_scoped3A : memref<!tpu.dma_semaphore, #tpu.memory_space<semaphore_mem>>) src(%arg17 : memref<256x128xf32, #tpu.memory_space<vmem>>) dst(%dma_wait3A_344 : memref<256x128xf32, #tpu.memory_space<hbm>>)
      tpu.yield
    }) : () -> ()
    %dma_start3A_67 = arith.constant 0 : i32
    %dma_start3A_68 = arith.constant 0 : i32
    %dma_start3A_69 = tpu.memref_slice %arg17[%dma_start3A_67, %dma_start3A_68] : memref<256x128xf32, #tpu.memory_space<vmem>> -> memref<128x128xf32, #tpu.memory_space<vmem>>
    %dma_start3A_70 = arith.constant 256 : i32
    %dma_start3A_71 = tpu.memref_slice %arg15[%dma_start3A_70] : memref<512xi32, #tpu.memory_space<vmem>> -> memref<128xi32, #tpu.memory_space<vmem>>
    %dma_start3A_72 = arith.constant 0 : i32
    %dma_start3A_73 = arith.constant 0 : i32
    %dma_start3A_74 = tpu.memref_slice %arg8[%dma_start3A_72, %dma_start3A_73] : memref<100000x128xf32, #tpu.memory_space<hbm>> -> memref<100000x128xf32, #tpu.memory_space<hbm>>
    tpu.enqueue_indirect_dma source(%dma_start3A_74 : memref<100000x128xf32, #tpu.memory_space<hbm>>) target(%dma_start3A_69 : memref<128x128xf32, #tpu.memory_space<vmem>>) offsets(%dma_start3A_71 : memref<128xi32, #tpu.memory_space<vmem>>) semaphore(%arg19 : memref<!tpu.dma_semaphore, #tpu.memory_space<semaphore_mem>>)
    %dma_start3A_75 = arith.constant 128 : i32
    %dma_start3A_76 = arith.constant 0 : i32
    %dma_start3A_77 = tpu.memref_slice %arg17[%dma_start3A_75, %dma_start3A_76] : memref<256x128xf32, #tpu.memory_space<vmem>> -> memref<128x128xf32, #tpu.memory_space<vmem>>
    %dma_start3A_78 = arith.constant 384 : i32
    %dma_start3A_79 = tpu.memref_slice %arg15[%dma_start3A_78] : memref<512xi32, #tpu.memory_space<vmem>> -> memref<128xi32, #tpu.memory_space<vmem>>
    %dma_start3A_80 = arith.constant 0 : i32
    %dma_start3A_81 = arith.constant 0 : i32
    %dma_start3A_82 = tpu.memref_slice %arg8[%dma_start3A_80, %dma_start3A_81] : memref<100000x128xf32, #tpu.memory_space<hbm>> -> memref<100000x128xf32, #tpu.memory_space<hbm>>
    tpu.enqueue_indirect_dma source(%dma_start3A_82 : memref<100000x128xf32, #tpu.memory_space<hbm>>) target(%dma_start3A_77 : memref<128x128xf32, #tpu.memory_space<vmem>>) offsets(%dma_start3A_79 : memref<128xi32, #tpu.memory_space<vmem>>) semaphore(%arg19 : memref<!tpu.dma_semaphore, #tpu.memory_space<semaphore_mem>>)
    %dma_wait3A_83 = arith.constant 0 : i32
    %dma_wait3A_84 = arith.constant 0 : i32
    %dma_wait3A_85 = tpu.memref_slice %arg17[%dma_wait3A_83, %dma_wait3A_84] : memref<256x128xf32, #tpu.memory_space<vmem>> -> memref<128x128xf32, #tpu.memory_space<vmem>>
    %dma_wait3A_86 = arith.constant 256 : i32
    %dma_wait3A_87 = tpu.memref_slice %arg15[%dma_wait3A_86] : memref<512xi32, #tpu.memory_space<vmem>> -> memref<128xi32, #tpu.memory_space<vmem>>
    %dma_wait3A_88 = arith.constant 0 : i32
    %dma_wait3A_89 = arith.constant 0 : i32
    %dma_wait3A_90 = tpu.memref_slice %arg8[%dma_wait3A_88, %dma_wait3A_89] : memref<100000x128xf32, #tpu.memory_space<hbm>> -> memref<100000x128xf32, #tpu.memory_space<hbm>>
    tpu.wait_indirect_dma semaphore(%arg19 : memref<!tpu.dma_semaphore, #tpu.memory_space<semaphore_mem>>) src(%dma_wait3A_90 : memref<100000x128xf32, #tpu.memory_space<hbm>>) dst(%dma_wait3A_85 : memref<128x128xf32, #tpu.memory_space<vmem>>)
    %dma_wait3A_91 = arith.constant 128 : i32
    %dma_wait3A_92 = arith.constant 0 : i32
    %dma_wait3A_93 = tpu.memref_slice %arg17[%dma_wait3A_91, %dma_wait3A_92] : memref<256x128xf32, #tpu.memory_space<vmem>> -> memref<128x128xf32, #tpu.memory_space<vmem>>
    %dma_wait3A_94 = arith.constant 384 : i32
    %dma_wait3A_95 = tpu.memref_slice %arg15[%dma_wait3A_94] : memref<512xi32, #tpu.memory_space<vmem>> -> memref<128xi32, #tpu.memory_space<vmem>>
    %dma_wait3A_96 = arith.constant 0 : i32
    %dma_wait3A_97 = arith.constant 0 : i32
    %dma_wait3A_98 = tpu.memref_slice %arg8[%dma_wait3A_96, %dma_wait3A_97] : memref<100000x128xf32, #tpu.memory_space<hbm>> -> memref<100000x128xf32, #tpu.memory_space<hbm>>
    tpu.wait_indirect_dma semaphore(%arg19 : memref<!tpu.dma_semaphore, #tpu.memory_space<semaphore_mem>>) src(%dma_wait3A_98 : memref<100000x128xf32, #tpu.memory_space<hbm>>) dst(%dma_wait3A_93 : memref<128x128xf32, #tpu.memory_space<vmem>>)
    %add3A_99 = arith.constant 256 : i32
    %add3A_100 = arith.addi %mul3A_2, %add3A_99 : i32
    "tpu.region"() ({
      %run_scoped3A = tpu.sem_alloc : memref<!tpu.dma_semaphore, #tpu.memory_space<semaphore_mem>>
      %dma_start3A_337 = arith.constant 0 : i32
      %dma_start3A_338 = tpu.memref_slice %arg10[%add3A_100, %dma_start3A_337] : memref<16384x128xf32, #tpu.memory_space<hbm>> -> memref<256x128xf32, #tpu.memory_space<hbm>>
      %dma_start3A_339 = arith.constant 0 : i32
      %dma_start3A_340 = tpu.memref_slice %arg10[%add3A_100, %dma_start3A_339] : memref<16384x128xf32, #tpu.memory_space<hbm>> -> memref<256x128xf32, #tpu.memory_space<hbm>>
      tpu.enqueue_dma source(%arg17 : memref<256x128xf32, #tpu.memory_space<vmem>>) target(%dma_start3A_340 : memref<256x128xf32, #tpu.memory_space<hbm>>) target_semaphore(%run_scoped3A : memref<!tpu.dma_semaphore, #tpu.memory_space<semaphore_mem>>)
      %dma_wait3A_341 = arith.constant 0 : i32
      %dma_wait3A_342 = tpu.memref_slice %arg10[%add3A_100, %dma_wait3A_341] : memref<16384x128xf32, #tpu.memory_space<hbm>> -> memref<256x128xf32, #tpu.memory_space<hbm>>
      %dma_wait3A_343 = arith.constant 0 : i32
      %dma_wait3A_344 = tpu.memref_slice %arg10[%add3A_100, %dma_wait3A_343] : memref<16384x128xf32, #tpu.memory_space<hbm>> -> memref<256x128xf32, #tpu.memory_space<hbm>>
      tpu.wait_dma2 semaphore(%run_scoped3A : memref<!tpu.dma_semaphore, #tpu.memory_space<semaphore_mem>>) src(%arg17 : memref<256x128xf32, #tpu.memory_space<vmem>>) dst(%dma_wait3A_344 : memref<256x128xf32, #tpu.memory_space<hbm>>)
      tpu.yield
    }) : () -> ()
    "tpu.region"() ({
      %run_scoped3A = tpu.sem_alloc : memref<!tpu.dma_semaphore, #tpu.memory_space<semaphore_mem>>
      %dma_start3A_337 = tpu.memref_slice %arg4[%mul3A_2] : memref<16384xi32, #tpu.memory_space<hbm>> -> memref<512xi32, #tpu.memory_space<hbm>>
      %dma_start3A_338 = tpu.memref_slice %arg4[%mul3A_2] : memref<16384xi32, #tpu.memory_space<hbm>> -> memref<512xi32, #tpu.memory_space<hbm>>
      tpu.enqueue_dma source(%dma_start3A_338 : memref<512xi32, #tpu.memory_space<hbm>>) target(%arg15 : memref<512xi32, #tpu.memory_space<vmem>>) target_semaphore(%run_scoped3A : memref<!tpu.dma_semaphore, #tpu.memory_space<semaphore_mem>>)
      %dma_wait3A_339 = tpu.memref_slice %arg4[%mul3A_2] : memref<16384xi32, #tpu.memory_space<hbm>> -> memref<512xi32, #tpu.memory_space<hbm>>
      %dma_wait3A_340 = tpu.memref_slice %arg4[%mul3A_2] : memref<16384xi32, #tpu.memory_space<hbm>> -> memref<512xi32, #tpu.memory_space<hbm>>
      tpu.wait_dma2 semaphore(%run_scoped3A : memref<!tpu.dma_semaphore, #tpu.memory_space<semaphore_mem>>) src(%dma_wait3A_340 : memref<512xi32, #tpu.memory_space<hbm>>) dst(%arg15 : memref<512xi32, #tpu.memory_space<vmem>>)
      tpu.yield
    }) : () -> ()
    %dma_start3A_101 = arith.constant 0 : i32
    %dma_start3A_102 = arith.constant 0 : i32
    %dma_start3A_103 = tpu.memref_slice %arg17[%dma_start3A_101, %dma_start3A_102] : memref<256x128xf32, #tpu.memory_space<vmem>> -> memref<128x128xf32, #tpu.memory_space<vmem>>
    %dma_start3A_104 = arith.constant 0 : i32
    %dma_start3A_105 = tpu.memref_slice %arg15[%dma_start3A_104] : memref<512xi32, #tpu.memory_space<vmem>> -> memref<128xi32, #tpu.memory_space<vmem>>
    %dma_start3A_106 = arith.constant 0 : i32
    %dma_start3A_107 = arith.constant 0 : i32
    %dma_start3A_108 = tpu.memref_slice %arg8[%dma_start3A_106, %dma_start3A_107] : memref<100000x128xf32, #tpu.memory_space<hbm>> -> memref<100000x128xf32, #tpu.memory_space<hbm>>
    tpu.enqueue_indirect_dma source(%dma_start3A_108 : memref<100000x128xf32, #tpu.memory_space<hbm>>) target(%dma_start3A_103 : memref<128x128xf32, #tpu.memory_space<vmem>>) offsets(%dma_start3A_105 : memref<128xi32, #tpu.memory_space<vmem>>) semaphore(%arg19 : memref<!tpu.dma_semaphore, #tpu.memory_space<semaphore_mem>>)
    %dma_start3A_109 = arith.constant 128 : i32
    %dma_start3A_110 = arith.constant 0 : i32
    %dma_start3A_111 = tpu.memref_slice %arg17[%dma_start3A_109, %dma_start3A_110] : memref<256x128xf32, #tpu.memory_space<vmem>> -> memref<128x128xf32, #tpu.memory_space<vmem>>
    %dma_start3A_112 = arith.constant 128 : i32
    %dma_start3A_113 = tpu.memref_slice %arg15[%dma_start3A_112] : memref<512xi32, #tpu.memory_space<vmem>> -> memref<128xi32, #tpu.memory_space<vmem>>
    %dma_start3A_114 = arith.constant 0 : i32
    %dma_start3A_115 = arith.constant 0 : i32
    %dma_start3A_116 = tpu.memref_slice %arg8[%dma_start3A_114, %dma_start3A_115] : memref<100000x128xf32, #tpu.memory_space<hbm>> -> memref<100000x128xf32, #tpu.memory_space<hbm>>
    tpu.enqueue_indirect_dma source(%dma_start3A_116 : memref<100000x128xf32, #tpu.memory_space<hbm>>) target(%dma_start3A_111 : memref<128x128xf32, #tpu.memory_space<vmem>>) offsets(%dma_start3A_113 : memref<128xi32, #tpu.memory_space<vmem>>) semaphore(%arg19 : memref<!tpu.dma_semaphore, #tpu.memory_space<semaphore_mem>>)
    %dma_wait3A_117 = arith.constant 0 : i32
    %dma_wait3A_118 = arith.constant 0 : i32
    %dma_wait3A_119 = tpu.memref_slice %arg17[%dma_wait3A_117, %dma_wait3A_118] : memref<256x128xf32, #tpu.memory_space<vmem>> -> memref<128x128xf32, #tpu.memory_space<vmem>>
    %dma_wait3A_120 = arith.constant 0 : i32
    %dma_wait3A_121 = tpu.memref_slice %arg15[%dma_wait3A_120] : memref<512xi32, #tpu.memory_space<vmem>> -> memref<128xi32, #tpu.memory_space<vmem>>
    %dma_wait3A_122 = arith.constant 0 : i32
    %dma_wait3A_123 = arith.constant 0 : i32
    %dma_wait3A_124 = tpu.memref_slice %arg8[%dma_wait3A_122, %dma_wait3A_123] : memref<100000x128xf32, #tpu.memory_space<hbm>> -> memref<100000x128xf32, #tpu.memory_space<hbm>>
    tpu.wait_indirect_dma semaphore(%arg19 : memref<!tpu.dma_semaphore, #tpu.memory_space<semaphore_mem>>) src(%dma_wait3A_124 : memref<100000x128xf32, #tpu.memory_space<hbm>>) dst(%dma_wait3A_119 : memref<128x128xf32, #tpu.memory_space<vmem>>)
    %dma_wait3A_125 = arith.constant 128 : i32
    %dma_wait3A_126 = arith.constant 0 : i32
    %dma_wait3A_127 = tpu.memref_slice %arg17[%dma_wait3A_125, %dma_wait3A_126] : memref<256x128xf32, #tpu.memory_space<vmem>> -> memref<128x128xf32, #tpu.memory_space<vmem>>
    %dma_wait3A_128 = arith.constant 128 : i32
    %dma_wait3A_129 = tpu.memref_slice %arg15[%dma_wait3A_128] : memref<512xi32, #tpu.memory_space<vmem>> -> memref<128xi32, #tpu.memory_space<vmem>>
    %dma_wait3A_130 = arith.constant 0 : i32
    %dma_wait3A_131 = arith.constant 0 : i32
    %dma_wait3A_132 = tpu.memref_slice %arg8[%dma_wait3A_130, %dma_wait3A_131] : memref<100000x128xf32, #tpu.memory_space<hbm>> -> memref<100000x128xf32, #tpu.memory_space<hbm>>
    tpu.wait_indirect_dma semaphore(%arg19 : memref<!tpu.dma_semaphore, #tpu.memory_space<semaphore_mem>>) src(%dma_wait3A_132 : memref<100000x128xf32, #tpu.memory_space<hbm>>) dst(%dma_wait3A_127 : memref<128x128xf32, #tpu.memory_space<vmem>>)
    %add3A_133 = arith.constant 0 : i32
    %add3A_134 = arith.addi %mul3A_2, %add3A_133 : i32
    "tpu.region"() ({
      %run_scoped3A = tpu.sem_alloc : memref<!tpu.dma_semaphore, #tpu.memory_space<semaphore_mem>>
      %dma_start3A_337 = arith.constant 0 : i32
      %dma_start3A_338 = tpu.memref_slice %arg11[%add3A_134, %dma_start3A_337] : memref<16384x128xf32, #tpu.memory_space<hbm>> -> memref<256x128xf32, #tpu.memory_space<hbm>>
      %dma_start3A_339 = arith.constant 0 : i32
      %dma_start3A_340 = tpu.memref_slice %arg11[%add3A_134, %dma_start3A_339] : memref<16384x128xf32, #tpu.memory_space<hbm>> -> memref<256x128xf32, #tpu.memory_space<hbm>>
      tpu.enqueue_dma source(%arg17 : memref<256x128xf32, #tpu.memory_space<vmem>>) target(%dma_start3A_340 : memref<256x128xf32, #tpu.memory_space<hbm>>) target_semaphore(%run_scoped3A : memref<!tpu.dma_semaphore, #tpu.memory_space<semaphore_mem>>)
      %dma_wait3A_341 = arith.constant 0 : i32
      %dma_wait3A_342 = tpu.memref_slice %arg11[%add3A_134, %dma_wait3A_341] : memref<16384x128xf32, #tpu.memory_space<hbm>> -> memref<256x128xf32, #tpu.memory_space<hbm>>
      %dma_wait3A_343 = arith.constant 0 : i32
      %dma_wait3A_344 = tpu.memref_slice %arg11[%add3A_134, %dma_wait3A_343] : memref<16384x128xf32, #tpu.memory_space<hbm>> -> memref<256x128xf32, #tpu.memory_space<hbm>>
      tpu.wait_dma2 semaphore(%run_scoped3A : memref<!tpu.dma_semaphore, #tpu.memory_space<semaphore_mem>>) src(%arg17 : memref<256x128xf32, #tpu.memory_space<vmem>>) dst(%dma_wait3A_344 : memref<256x128xf32, #tpu.memory_space<hbm>>)
      tpu.yield
    }) : () -> ()
    %dma_start3A_135 = arith.constant 0 : i32
    %dma_start3A_136 = arith.constant 0 : i32
    %dma_start3A_137 = tpu.memref_slice %arg17[%dma_start3A_135, %dma_start3A_136] : memref<256x128xf32, #tpu.memory_space<vmem>> -> memref<128x128xf32, #tpu.memory_space<vmem>>
    %dma_start3A_138 = arith.constant 256 : i32
    %dma_start3A_139 = tpu.memref_slice %arg15[%dma_start3A_138] : memref<512xi32, #tpu.memory_space<vmem>> -> memref<128xi32, #tpu.memory_space<vmem>>
    %dma_start3A_140 = arith.constant 0 : i32
    %dma_start3A_141 = arith.constant 0 : i32
    %dma_start3A_142 = tpu.memref_slice %arg8[%dma_start3A_140, %dma_start3A_141] : memref<100000x128xf32, #tpu.memory_space<hbm>> -> memref<100000x128xf32, #tpu.memory_space<hbm>>
    tpu.enqueue_indirect_dma source(%dma_start3A_142 : memref<100000x128xf32, #tpu.memory_space<hbm>>) target(%dma_start3A_137 : memref<128x128xf32, #tpu.memory_space<vmem>>) offsets(%dma_start3A_139 : memref<128xi32, #tpu.memory_space<vmem>>) semaphore(%arg19 : memref<!tpu.dma_semaphore, #tpu.memory_space<semaphore_mem>>)
    %dma_start3A_143 = arith.constant 128 : i32
    %dma_start3A_144 = arith.constant 0 : i32
    %dma_start3A_145 = tpu.memref_slice %arg17[%dma_start3A_143, %dma_start3A_144] : memref<256x128xf32, #tpu.memory_space<vmem>> -> memref<128x128xf32, #tpu.memory_space<vmem>>
    %dma_start3A_146 = arith.constant 384 : i32
    %dma_start3A_147 = tpu.memref_slice %arg15[%dma_start3A_146] : memref<512xi32, #tpu.memory_space<vmem>> -> memref<128xi32, #tpu.memory_space<vmem>>
    %dma_start3A_148 = arith.constant 0 : i32
    %dma_start3A_149 = arith.constant 0 : i32
    %dma_start3A_150 = tpu.memref_slice %arg8[%dma_start3A_148, %dma_start3A_149] : memref<100000x128xf32, #tpu.memory_space<hbm>> -> memref<100000x128xf32, #tpu.memory_space<hbm>>
    tpu.enqueue_indirect_dma source(%dma_start3A_150 : memref<100000x128xf32, #tpu.memory_space<hbm>>) target(%dma_start3A_145 : memref<128x128xf32, #tpu.memory_space<vmem>>) offsets(%dma_start3A_147 : memref<128xi32, #tpu.memory_space<vmem>>) semaphore(%arg19 : memref<!tpu.dma_semaphore, #tpu.memory_space<semaphore_mem>>)
    %dma_wait3A_151 = arith.constant 0 : i32
    %dma_wait3A_152 = arith.constant 0 : i32
    %dma_wait3A_153 = tpu.memref_slice %arg17[%dma_wait3A_151, %dma_wait3A_152] : memref<256x128xf32, #tpu.memory_space<vmem>> -> memref<128x128xf32, #tpu.memory_space<vmem>>
    %dma_wait3A_154 = arith.constant 256 : i32
    %dma_wait3A_155 = tpu.memref_slice %arg15[%dma_wait3A_154] : memref<512xi32, #tpu.memory_space<vmem>> -> memref<128xi32, #tpu.memory_space<vmem>>
    %dma_wait3A_156 = arith.constant 0 : i32
    %dma_wait3A_157 = arith.constant 0 : i32
    %dma_wait3A_158 = tpu.memref_slice %arg8[%dma_wait3A_156, %dma_wait3A_157] : memref<100000x128xf32, #tpu.memory_space<hbm>> -> memref<100000x128xf32, #tpu.memory_space<hbm>>
    tpu.wait_indirect_dma semaphore(%arg19 : memref<!tpu.dma_semaphore, #tpu.memory_space<semaphore_mem>>) src(%dma_wait3A_158 : memref<100000x128xf32, #tpu.memory_space<hbm>>) dst(%dma_wait3A_153 : memref<128x128xf32, #tpu.memory_space<vmem>>)
    %dma_wait3A_159 = arith.constant 128 : i32
    %dma_wait3A_160 = arith.constant 0 : i32
    %dma_wait3A_161 = tpu.memref_slice %arg17[%dma_wait3A_159, %dma_wait3A_160] : memref<256x128xf32, #tpu.memory_space<vmem>> -> memref<128x128xf32, #tpu.memory_space<vmem>>
    %dma_wait3A_162 = arith.constant 384 : i32
    %dma_wait3A_163 = tpu.memref_slice %arg15[%dma_wait3A_162] : memref<512xi32, #tpu.memory_space<vmem>> -> memref<128xi32, #tpu.memory_space<vmem>>
    %dma_wait3A_164 = arith.constant 0 : i32
    %dma_wait3A_165 = arith.constant 0 : i32
    %dma_wait3A_166 = tpu.memref_slice %arg8[%dma_wait3A_164, %dma_wait3A_165] : memref<100000x128xf32, #tpu.memory_space<hbm>> -> memref<100000x128xf32, #tpu.memory_space<hbm>>
    tpu.wait_indirect_dma semaphore(%arg19 : memref<!tpu.dma_semaphore, #tpu.memory_space<semaphore_mem>>) src(%dma_wait3A_166 : memref<100000x128xf32, #tpu.memory_space<hbm>>) dst(%dma_wait3A_161 : memref<128x128xf32, #tpu.memory_space<vmem>>)
    %add3A_167 = arith.constant 256 : i32
    %add3A_168 = arith.addi %mul3A_2, %add3A_167 : i32
    "tpu.region"() ({
      %run_scoped3A = tpu.sem_alloc : memref<!tpu.dma_semaphore, #tpu.memory_space<semaphore_mem>>
      %dma_start3A_337 = arith.constant 0 : i32
      %dma_start3A_338 = tpu.memref_slice %arg11[%add3A_168, %dma_start3A_337] : memref<16384x128xf32, #tpu.memory_space<hbm>> -> memref<256x128xf32, #tpu.memory_space<hbm>>
      %dma_start3A_339 = arith.constant 0 : i32
      %dma_start3A_340 = tpu.memref_slice %arg11[%add3A_168, %dma_start3A_339] : memref<16384x128xf32, #tpu.memory_space<hbm>> -> memref<256x128xf32, #tpu.memory_space<hbm>>
      tpu.enqueue_dma source(%arg17 : memref<256x128xf32, #tpu.memory_space<vmem>>) target(%dma_start3A_340 : memref<256x128xf32, #tpu.memory_space<hbm>>) target_semaphore(%run_scoped3A : memref<!tpu.dma_semaphore, #tpu.memory_space<semaphore_mem>>)
      %dma_wait3A_341 = arith.constant 0 : i32
      %dma_wait3A_342 = tpu.memref_slice %arg11[%add3A_168, %dma_wait3A_341] : memref<16384x128xf32, #tpu.memory_space<hbm>> -> memref<256x128xf32, #tpu.memory_space<hbm>>
      %dma_wait3A_343 = arith.constant 0 : i32
      %dma_wait3A_344 = tpu.memref_slice %arg11[%add3A_168, %dma_wait3A_343] : memref<16384x128xf32, #tpu.memory_space<hbm>> -> memref<256x128xf32, #tpu.memory_space<hbm>>
      tpu.wait_dma2 semaphore(%run_scoped3A : memref<!tpu.dma_semaphore, #tpu.memory_space<semaphore_mem>>) src(%arg17 : memref<256x128xf32, #tpu.memory_space<vmem>>) dst(%dma_wait3A_344 : memref<256x128xf32, #tpu.memory_space<hbm>>)
      tpu.yield
    }) : () -> ()
    "tpu.region"() ({
      %run_scoped3A = tpu.sem_alloc : memref<!tpu.dma_semaphore, #tpu.memory_space<semaphore_mem>>
      %dma_start3A_337 = tpu.memref_slice %arg5[%mul3A_2] : memref<16384xi32, #tpu.memory_space<hbm>> -> memref<512xi32, #tpu.memory_space<hbm>>
      %dma_start3A_338 = tpu.memref_slice %arg5[%mul3A_2] : memref<16384xi32, #tpu.memory_space<hbm>> -> memref<512xi32, #tpu.memory_space<hbm>>
      tpu.enqueue_dma source(%dma_start3A_338 : memref<512xi32, #tpu.memory_space<hbm>>) target(%arg15 : memref<512xi32, #tpu.memory_space<vmem>>) target_semaphore(%run_scoped3A : memref<!tpu.dma_semaphore, #tpu.memory_space<semaphore_mem>>)
      %dma_wait3A_339 = tpu.memref_slice %arg5[%mul3A_2] : memref<16384xi32, #tpu.memory_space<hbm>> -> memref<512xi32, #tpu.memory_space<hbm>>
      %dma_wait3A_340 = tpu.memref_slice %arg5[%mul3A_2] : memref<16384xi32, #tpu.memory_space<hbm>> -> memref<512xi32, #tpu.memory_space<hbm>>
      tpu.wait_dma2 semaphore(%run_scoped3A : memref<!tpu.dma_semaphore, #tpu.memory_space<semaphore_mem>>) src(%dma_wait3A_340 : memref<512xi32, #tpu.memory_space<hbm>>) dst(%arg15 : memref<512xi32, #tpu.memory_space<vmem>>)
      tpu.yield
    }) : () -> ()
    %dma_start3A_169 = arith.constant 0 : i32
    %dma_start3A_170 = arith.constant 0 : i32
    %dma_start3A_171 = tpu.memref_slice %arg17[%dma_start3A_169, %dma_start3A_170] : memref<256x128xf32, #tpu.memory_space<vmem>> -> memref<128x128xf32, #tpu.memory_space<vmem>>
    %dma_start3A_172 = arith.constant 0 : i32
    %dma_start3A_173 = tpu.memref_slice %arg15[%dma_start3A_172] : memref<512xi32, #tpu.memory_space<vmem>> -> memref<128xi32, #tpu.memory_space<vmem>>
    %dma_start3A_174 = arith.constant 0 : i32
    %dma_start3A_175 = arith.constant 0 : i32
    %dma_start3A_176 = tpu.memref_slice %arg8[%dma_start3A_174, %dma_start3A_175] : memref<100000x128xf32, #tpu.memory_space<hbm>> -> memref<100000x128xf32, #tpu.memory_space<hbm>>
    tpu.enqueue_indirect_dma source(%dma_start3A_176 : memref<100000x128xf32, #tpu.memory_space<hbm>>) target(%dma_start3A_171 : memref<128x128xf32, #tpu.memory_space<vmem>>) offsets(%dma_start3A_173 : memref<128xi32, #tpu.memory_space<vmem>>) semaphore(%arg19 : memref<!tpu.dma_semaphore, #tpu.memory_space<semaphore_mem>>)
    %dma_start3A_177 = arith.constant 128 : i32
    %dma_start3A_178 = arith.constant 0 : i32
    %dma_start3A_179 = tpu.memref_slice %arg17[%dma_start3A_177, %dma_start3A_178] : memref<256x128xf32, #tpu.memory_space<vmem>> -> memref<128x128xf32, #tpu.memory_space<vmem>>
    %dma_start3A_180 = arith.constant 128 : i32
    %dma_start3A_181 = tpu.memref_slice %arg15[%dma_start3A_180] : memref<512xi32, #tpu.memory_space<vmem>> -> memref<128xi32, #tpu.memory_space<vmem>>
    %dma_start3A_182 = arith.constant 0 : i32
    %dma_start3A_183 = arith.constant 0 : i32
    %dma_start3A_184 = tpu.memref_slice %arg8[%dma_start3A_182, %dma_start3A_183] : memref<100000x128xf32, #tpu.memory_space<hbm>> -> memref<100000x128xf32, #tpu.memory_space<hbm>>
    tpu.enqueue_indirect_dma source(%dma_start3A_184 : memref<100000x128xf32, #tpu.memory_space<hbm>>) target(%dma_start3A_179 : memref<128x128xf32, #tpu.memory_space<vmem>>) offsets(%dma_start3A_181 : memref<128xi32, #tpu.memory_space<vmem>>) semaphore(%arg19 : memref<!tpu.dma_semaphore, #tpu.memory_space<semaphore_mem>>)
    %dma_wait3A_185 = arith.constant 0 : i32
    %dma_wait3A_186 = arith.constant 0 : i32
    %dma_wait3A_187 = tpu.memref_slice %arg17[%dma_wait3A_185, %dma_wait3A_186] : memref<256x128xf32, #tpu.memory_space<vmem>> -> memref<128x128xf32, #tpu.memory_space<vmem>>
    %dma_wait3A_188 = arith.constant 0 : i32
    %dma_wait3A_189 = tpu.memref_slice %arg15[%dma_wait3A_188] : memref<512xi32, #tpu.memory_space<vmem>> -> memref<128xi32, #tpu.memory_space<vmem>>
    %dma_wait3A_190 = arith.constant 0 : i32
    %dma_wait3A_191 = arith.constant 0 : i32
    %dma_wait3A_192 = tpu.memref_slice %arg8[%dma_wait3A_190, %dma_wait3A_191] : memref<100000x128xf32, #tpu.memory_space<hbm>> -> memref<100000x128xf32, #tpu.memory_space<hbm>>
    tpu.wait_indirect_dma semaphore(%arg19 : memref<!tpu.dma_semaphore, #tpu.memory_space<semaphore_mem>>) src(%dma_wait3A_192 : memref<100000x128xf32, #tpu.memory_space<hbm>>) dst(%dma_wait3A_187 : memref<128x128xf32, #tpu.memory_space<vmem>>)
    %dma_wait3A_193 = arith.constant 128 : i32
    %dma_wait3A_194 = arith.constant 0 : i32
    %dma_wait3A_195 = tpu.memref_slice %arg17[%dma_wait3A_193, %dma_wait3A_194] : memref<256x128xf32, #tpu.memory_space<vmem>> -> memref<128x128xf32, #tpu.memory_space<vmem>>
    %dma_wait3A_196 = arith.constant 128 : i32
    %dma_wait3A_197 = tpu.memref_slice %arg15[%dma_wait3A_196] : memref<512xi32, #tpu.memory_space<vmem>> -> memref<128xi32, #tpu.memory_space<vmem>>
    %dma_wait3A_198 = arith.constant 0 : i32
    %dma_wait3A_199 = arith.constant 0 : i32
    %dma_wait3A_200 = tpu.memref_slice %arg8[%dma_wait3A_198, %dma_wait3A_199] : memref<100000x128xf32, #tpu.memory_space<hbm>> -> memref<100000x128xf32, #tpu.memory_space<hbm>>
    tpu.wait_indirect_dma semaphore(%arg19 : memref<!tpu.dma_semaphore, #tpu.memory_space<semaphore_mem>>) src(%dma_wait3A_200 : memref<100000x128xf32, #tpu.memory_space<hbm>>) dst(%dma_wait3A_195 : memref<128x128xf32, #tpu.memory_space<vmem>>)
    %add3A_201 = arith.constant 0 : i32
    %add3A_202 = arith.addi %mul3A_2, %add3A_201 : i32
    "tpu.region"() ({
      %run_scoped3A = tpu.sem_alloc : memref<!tpu.dma_semaphore, #tpu.memory_space<semaphore_mem>>
      %dma_start3A_337 = arith.constant 0 : i32
      %dma_start3A_338 = tpu.memref_slice %arg12[%add3A_202, %dma_start3A_337] : memref<16384x128xf32, #tpu.memory_space<hbm>> -> memref<256x128xf32, #tpu.memory_space<hbm>>
      %dma_start3A_339 = arith.constant 0 : i32
      %dma_start3A_340 = tpu.memref_slice %arg12[%add3A_202, %dma_start3A_339] : memref<16384x128xf32, #tpu.memory_space<hbm>> -> memref<256x128xf32, #tpu.memory_space<hbm>>
      tpu.enqueue_dma source(%arg17 : memref<256x128xf32, #tpu.memory_space<vmem>>) target(%dma_start3A_340 : memref<256x128xf32, #tpu.memory_space<hbm>>) target_semaphore(%run_scoped3A : memref<!tpu.dma_semaphore, #tpu.memory_space<semaphore_mem>>)
      %dma_wait3A_341 = arith.constant 0 : i32
      %dma_wait3A_342 = tpu.memref_slice %arg12[%add3A_202, %dma_wait3A_341] : memref<16384x128xf32, #tpu.memory_space<hbm>> -> memref<256x128xf32, #tpu.memory_space<hbm>>
      %dma_wait3A_343 = arith.constant 0 : i32
      %dma_wait3A_344 = tpu.memref_slice %arg12[%add3A_202, %dma_wait3A_343] : memref<16384x128xf32, #tpu.memory_space<hbm>> -> memref<256x128xf32, #tpu.memory_space<hbm>>
      tpu.wait_dma2 semaphore(%run_scoped3A : memref<!tpu.dma_semaphore, #tpu.memory_space<semaphore_mem>>) src(%arg17 : memref<256x128xf32, #tpu.memory_space<vmem>>) dst(%dma_wait3A_344 : memref<256x128xf32, #tpu.memory_space<hbm>>)
      tpu.yield
    }) : () -> ()
    %dma_start3A_203 = arith.constant 0 : i32
    %dma_start3A_204 = arith.constant 0 : i32
    %dma_start3A_205 = tpu.memref_slice %arg17[%dma_start3A_203, %dma_start3A_204] : memref<256x128xf32, #tpu.memory_space<vmem>> -> memref<128x128xf32, #tpu.memory_space<vmem>>
    %dma_start3A_206 = arith.constant 256 : i32
    %dma_start3A_207 = tpu.memref_slice %arg15[%dma_start3A_206] : memref<512xi32, #tpu.memory_space<vmem>> -> memref<128xi32, #tpu.memory_space<vmem>>
    %dma_start3A_208 = arith.constant 0 : i32
    %dma_start3A_209 = arith.constant 0 : i32
    %dma_start3A_210 = tpu.memref_slice %arg8[%dma_start3A_208, %dma_start3A_209] : memref<100000x128xf32, #tpu.memory_space<hbm>> -> memref<100000x128xf32, #tpu.memory_space<hbm>>
    tpu.enqueue_indirect_dma source(%dma_start3A_210 : memref<100000x128xf32, #tpu.memory_space<hbm>>) target(%dma_start3A_205 : memref<128x128xf32, #tpu.memory_space<vmem>>) offsets(%dma_start3A_207 : memref<128xi32, #tpu.memory_space<vmem>>) semaphore(%arg19 : memref<!tpu.dma_semaphore, #tpu.memory_space<semaphore_mem>>)
    %dma_start3A_211 = arith.constant 128 : i32
    %dma_start3A_212 = arith.constant 0 : i32
    %dma_start3A_213 = tpu.memref_slice %arg17[%dma_start3A_211, %dma_start3A_212] : memref<256x128xf32, #tpu.memory_space<vmem>> -> memref<128x128xf32, #tpu.memory_space<vmem>>
    %dma_start3A_214 = arith.constant 384 : i32
    %dma_start3A_215 = tpu.memref_slice %arg15[%dma_start3A_214] : memref<512xi32, #tpu.memory_space<vmem>> -> memref<128xi32, #tpu.memory_space<vmem>>
    %dma_start3A_216 = arith.constant 0 : i32
    %dma_start3A_217 = arith.constant 0 : i32
    %dma_start3A_218 = tpu.memref_slice %arg8[%dma_start3A_216, %dma_start3A_217] : memref<100000x128xf32, #tpu.memory_space<hbm>> -> memref<100000x128xf32, #tpu.memory_space<hbm>>
    tpu.enqueue_indirect_dma source(%dma_start3A_218 : memref<100000x128xf32, #tpu.memory_space<hbm>>) target(%dma_start3A_213 : memref<128x128xf32, #tpu.memory_space<vmem>>) offsets(%dma_start3A_215 : memref<128xi32, #tpu.memory_space<vmem>>) semaphore(%arg19 : memref<!tpu.dma_semaphore, #tpu.memory_space<semaphore_mem>>)
    %dma_wait3A_219 = arith.constant 0 : i32
    %dma_wait3A_220 = arith.constant 0 : i32
    %dma_wait3A_221 = tpu.memref_slice %arg17[%dma_wait3A_219, %dma_wait3A_220] : memref<256x128xf32, #tpu.memory_space<vmem>> -> memref<128x128xf32, #tpu.memory_space<vmem>>
    %dma_wait3A_222 = arith.constant 256 : i32
    %dma_wait3A_223 = tpu.memref_slice %arg15[%dma_wait3A_222] : memref<512xi32, #tpu.memory_space<vmem>> -> memref<128xi32, #tpu.memory_space<vmem>>
    %dma_wait3A_224 = arith.constant 0 : i32
    %dma_wait3A_225 = arith.constant 0 : i32
    %dma_wait3A_226 = tpu.memref_slice %arg8[%dma_wait3A_224, %dma_wait3A_225] : memref<100000x128xf32, #tpu.memory_space<hbm>> -> memref<100000x128xf32, #tpu.memory_space<hbm>>
    tpu.wait_indirect_dma semaphore(%arg19 : memref<!tpu.dma_semaphore, #tpu.memory_space<semaphore_mem>>) src(%dma_wait3A_226 : memref<100000x128xf32, #tpu.memory_space<hbm>>) dst(%dma_wait3A_221 : memref<128x128xf32, #tpu.memory_space<vmem>>)
    %dma_wait3A_227 = arith.constant 128 : i32
    %dma_wait3A_228 = arith.constant 0 : i32
    %dma_wait3A_229 = tpu.memref_slice %arg17[%dma_wait3A_227, %dma_wait3A_228] : memref<256x128xf32, #tpu.memory_space<vmem>> -> memref<128x128xf32, #tpu.memory_space<vmem>>
    %dma_wait3A_230 = arith.constant 384 : i32
    %dma_wait3A_231 = tpu.memref_slice %arg15[%dma_wait3A_230] : memref<512xi32, #tpu.memory_space<vmem>> -> memref<128xi32, #tpu.memory_space<vmem>>
    %dma_wait3A_232 = arith.constant 0 : i32
    %dma_wait3A_233 = arith.constant 0 : i32
    %dma_wait3A_234 = tpu.memref_slice %arg8[%dma_wait3A_232, %dma_wait3A_233] : memref<100000x128xf32, #tpu.memory_space<hbm>> -> memref<100000x128xf32, #tpu.memory_space<hbm>>
    tpu.wait_indirect_dma semaphore(%arg19 : memref<!tpu.dma_semaphore, #tpu.memory_space<semaphore_mem>>) src(%dma_wait3A_234 : memref<100000x128xf32, #tpu.memory_space<hbm>>) dst(%dma_wait3A_229 : memref<128x128xf32, #tpu.memory_space<vmem>>)
    %add3A_235 = arith.constant 256 : i32
    %add3A_236 = arith.addi %mul3A_2, %add3A_235 : i32
    "tpu.region"() ({
      %run_scoped3A = tpu.sem_alloc : memref<!tpu.dma_semaphore, #tpu.memory_space<semaphore_mem>>
      %dma_start3A_337 = arith.constant 0 : i32
      %dma_start3A_338 = tpu.memref_slice %arg12[%add3A_236, %dma_start3A_337] : memref<16384x128xf32, #tpu.memory_space<hbm>> -> memref<256x128xf32, #tpu.memory_space<hbm>>
      %dma_start3A_339 = arith.constant 0 : i32
      %dma_start3A_340 = tpu.memref_slice %arg12[%add3A_236, %dma_start3A_339] : memref<16384x128xf32, #tpu.memory_space<hbm>> -> memref<256x128xf32, #tpu.memory_space<hbm>>
      tpu.enqueue_dma source(%arg17 : memref<256x128xf32, #tpu.memory_space<vmem>>) target(%dma_start3A_340 : memref<256x128xf32, #tpu.memory_space<hbm>>) target_semaphore(%run_scoped3A : memref<!tpu.dma_semaphore, #tpu.memory_space<semaphore_mem>>)
      %dma_wait3A_341 = arith.constant 0 : i32
      %dma_wait3A_342 = tpu.memref_slice %arg12[%add3A_236, %dma_wait3A_341] : memref<16384x128xf32, #tpu.memory_space<hbm>> -> memref<256x128xf32, #tpu.memory_space<hbm>>
      %dma_wait3A_343 = arith.constant 0 : i32
      %dma_wait3A_344 = tpu.memref_slice %arg12[%add3A_236, %dma_wait3A_343] : memref<16384x128xf32, #tpu.memory_space<hbm>> -> memref<256x128xf32, #tpu.memory_space<hbm>>
      tpu.wait_dma2 semaphore(%run_scoped3A : memref<!tpu.dma_semaphore, #tpu.memory_space<semaphore_mem>>) src(%arg17 : memref<256x128xf32, #tpu.memory_space<vmem>>) dst(%dma_wait3A_344 : memref<256x128xf32, #tpu.memory_space<hbm>>)
      tpu.yield
    }) : () -> ()
    "tpu.region"() ({
      %run_scoped3A = tpu.sem_alloc : memref<!tpu.dma_semaphore, #tpu.memory_space<semaphore_mem>>
      %dma_start3A_337 = tpu.memref_slice %arg6[%mul3A_2] : memref<16384xi32, #tpu.memory_space<hbm>> -> memref<512xi32, #tpu.memory_space<hbm>>
      %dma_start3A_338 = tpu.memref_slice %arg6[%mul3A_2] : memref<16384xi32, #tpu.memory_space<hbm>> -> memref<512xi32, #tpu.memory_space<hbm>>
      tpu.enqueue_dma source(%dma_start3A_338 : memref<512xi32, #tpu.memory_space<hbm>>) target(%arg15 : memref<512xi32, #tpu.memory_space<vmem>>) target_semaphore(%run_scoped3A : memref<!tpu.dma_semaphore, #tpu.memory_space<semaphore_mem>>)
      %dma_wait3A_339 = tpu.memref_slice %arg6[%mul3A_2] : memref<16384xi32, #tpu.memory_space<hbm>> -> memref<512xi32, #tpu.memory_space<hbm>>
      %dma_wait3A_340 = tpu.memref_slice %arg6[%mul3A_2] : memref<16384xi32, #tpu.memory_space<hbm>> -> memref<512xi32, #tpu.memory_space<hbm>>
      tpu.wait_dma2 semaphore(%run_scoped3A : memref<!tpu.dma_semaphore, #tpu.memory_space<semaphore_mem>>) src(%dma_wait3A_340 : memref<512xi32, #tpu.memory_space<hbm>>) dst(%arg15 : memref<512xi32, #tpu.memory_space<vmem>>)
      tpu.yield
    }) : () -> ()
    %dma_start3A_237 = arith.constant 0 : i32
    %dma_start3A_238 = arith.constant 0 : i32
    %dma_start3A_239 = tpu.memref_slice %arg17[%dma_start3A_237, %dma_start3A_238] : memref<256x128xf32, #tpu.memory_space<vmem>> -> memref<128x128xf32, #tpu.memory_space<vmem>>
    %dma_start3A_240 = arith.constant 0 : i32
    %dma_start3A_241 = tpu.memref_slice %arg15[%dma_start3A_240] : memref<512xi32, #tpu.memory_space<vmem>> -> memref<128xi32, #tpu.memory_space<vmem>>
    %dma_start3A_242 = arith.constant 0 : i32
    %dma_start3A_243 = arith.constant 0 : i32
    %dma_start3A_244 = tpu.memref_slice %arg8[%dma_start3A_242, %dma_start3A_243] : memref<100000x128xf32, #tpu.memory_space<hbm>> -> memref<100000x128xf32, #tpu.memory_space<hbm>>
    tpu.enqueue_indirect_dma source(%dma_start3A_244 : memref<100000x128xf32, #tpu.memory_space<hbm>>) target(%dma_start3A_239 : memref<128x128xf32, #tpu.memory_space<vmem>>) offsets(%dma_start3A_241 : memref<128xi32, #tpu.memory_space<vmem>>) semaphore(%arg19 : memref<!tpu.dma_semaphore, #tpu.memory_space<semaphore_mem>>)
    %dma_start3A_245 = arith.constant 128 : i32
    %dma_start3A_246 = arith.constant 0 : i32
    %dma_start3A_247 = tpu.memref_slice %arg17[%dma_start3A_245, %dma_start3A_246] : memref<256x128xf32, #tpu.memory_space<vmem>> -> memref<128x128xf32, #tpu.memory_space<vmem>>
    %dma_start3A_248 = arith.constant 128 : i32
    %dma_start3A_249 = tpu.memref_slice %arg15[%dma_start3A_248] : memref<512xi32, #tpu.memory_space<vmem>> -> memref<128xi32, #tpu.memory_space<vmem>>
    %dma_start3A_250 = arith.constant 0 : i32
    %dma_start3A_251 = arith.constant 0 : i32
    %dma_start3A_252 = tpu.memref_slice %arg8[%dma_start3A_250, %dma_start3A_251] : memref<100000x128xf32, #tpu.memory_space<hbm>> -> memref<100000x128xf32, #tpu.memory_space<hbm>>
    tpu.enqueue_indirect_dma source(%dma_start3A_252 : memref<100000x128xf32, #tpu.memory_space<hbm>>) target(%dma_start3A_247 : memref<128x128xf32, #tpu.memory_space<vmem>>) offsets(%dma_start3A_249 : memref<128xi32, #tpu.memory_space<vmem>>) semaphore(%arg19 : memref<!tpu.dma_semaphore, #tpu.memory_space<semaphore_mem>>)
    %dma_wait3A_253 = arith.constant 0 : i32
    %dma_wait3A_254 = arith.constant 0 : i32
    %dma_wait3A_255 = tpu.memref_slice %arg17[%dma_wait3A_253, %dma_wait3A_254] : memref<256x128xf32, #tpu.memory_space<vmem>> -> memref<128x128xf32, #tpu.memory_space<vmem>>
    %dma_wait3A_256 = arith.constant 0 : i32
    %dma_wait3A_257 = tpu.memref_slice %arg15[%dma_wait3A_256] : memref<512xi32, #tpu.memory_space<vmem>> -> memref<128xi32, #tpu.memory_space<vmem>>
    %dma_wait3A_258 = arith.constant 0 : i32
    %dma_wait3A_259 = arith.constant 0 : i32
    %dma_wait3A_260 = tpu.memref_slice %arg8[%dma_wait3A_258, %dma_wait3A_259] : memref<100000x128xf32, #tpu.memory_space<hbm>> -> memref<100000x128xf32, #tpu.memory_space<hbm>>
    tpu.wait_indirect_dma semaphore(%arg19 : memref<!tpu.dma_semaphore, #tpu.memory_space<semaphore_mem>>) src(%dma_wait3A_260 : memref<100000x128xf32, #tpu.memory_space<hbm>>) dst(%dma_wait3A_255 : memref<128x128xf32, #tpu.memory_space<vmem>>)
    %dma_wait3A_261 = arith.constant 128 : i32
    %dma_wait3A_262 = arith.constant 0 : i32
    %dma_wait3A_263 = tpu.memref_slice %arg17[%dma_wait3A_261, %dma_wait3A_262] : memref<256x128xf32, #tpu.memory_space<vmem>> -> memref<128x128xf32, #tpu.memory_space<vmem>>
    %dma_wait3A_264 = arith.constant 128 : i32
    %dma_wait3A_265 = tpu.memref_slice %arg15[%dma_wait3A_264] : memref<512xi32, #tpu.memory_space<vmem>> -> memref<128xi32, #tpu.memory_space<vmem>>
    %dma_wait3A_266 = arith.constant 0 : i32
    %dma_wait3A_267 = arith.constant 0 : i32
    %dma_wait3A_268 = tpu.memref_slice %arg8[%dma_wait3A_266, %dma_wait3A_267] : memref<100000x128xf32, #tpu.memory_space<hbm>> -> memref<100000x128xf32, #tpu.memory_space<hbm>>
    tpu.wait_indirect_dma semaphore(%arg19 : memref<!tpu.dma_semaphore, #tpu.memory_space<semaphore_mem>>) src(%dma_wait3A_268 : memref<100000x128xf32, #tpu.memory_space<hbm>>) dst(%dma_wait3A_263 : memref<128x128xf32, #tpu.memory_space<vmem>>)
    %add3A_269 = arith.constant 0 : i32
    %add3A_270 = arith.addi %mul3A_2, %add3A_269 : i32
    "tpu.region"() ({
      %run_scoped3A = tpu.sem_alloc : memref<!tpu.dma_semaphore, #tpu.memory_space<semaphore_mem>>
      %dma_start3A_337 = arith.constant 0 : i32
      %dma_start3A_338 = tpu.memref_slice %arg13[%add3A_270, %dma_start3A_337] : memref<16384x128xf32, #tpu.memory_space<hbm>> -> memref<256x128xf32, #tpu.memory_space<hbm>>
      %dma_start3A_339 = arith.constant 0 : i32
      %dma_start3A_340 = tpu.memref_slice %arg13[%add3A_270, %dma_start3A_339] : memref<16384x128xf32, #tpu.memory_space<hbm>> -> memref<256x128xf32, #tpu.memory_space<hbm>>
      tpu.enqueue_dma source(%arg17 : memref<256x128xf32, #tpu.memory_space<vmem>>) target(%dma_start3A_340 : memref<256x128xf32, #tpu.memory_space<hbm>>) target_semaphore(%run_scoped3A : memref<!tpu.dma_semaphore, #tpu.memory_space<semaphore_mem>>)
      %dma_wait3A_341 = arith.constant 0 : i32
      %dma_wait3A_342 = tpu.memref_slice %arg13[%add3A_270, %dma_wait3A_341] : memref<16384x128xf32, #tpu.memory_space<hbm>> -> memref<256x128xf32, #tpu.memory_space<hbm>>
      %dma_wait3A_343 = arith.constant 0 : i32
      %dma_wait3A_344 = tpu.memref_slice %arg13[%add3A_270, %dma_wait3A_343] : memref<16384x128xf32, #tpu.memory_space<hbm>> -> memref<256x128xf32, #tpu.memory_space<hbm>>
      tpu.wait_dma2 semaphore(%run_scoped3A : memref<!tpu.dma_semaphore, #tpu.memory_space<semaphore_mem>>) src(%arg17 : memref<256x128xf32, #tpu.memory_space<vmem>>) dst(%dma_wait3A_344 : memref<256x128xf32, #tpu.memory_space<hbm>>)
      tpu.yield
    }) : () -> ()
    %dma_start3A_271 = arith.constant 0 : i32
    %dma_start3A_272 = arith.constant 0 : i32
    %dma_start3A_273 = tpu.memref_slice %arg17[%dma_start3A_271, %dma_start3A_272] : memref<256x128xf32, #tpu.memory_space<vmem>> -> memref<128x128xf32, #tpu.memory_space<vmem>>
    %dma_start3A_274 = arith.constant 256 : i32
    %dma_start3A_275 = tpu.memref_slice %arg15[%dma_start3A_274] : memref<512xi32, #tpu.memory_space<vmem>> -> memref<128xi32, #tpu.memory_space<vmem>>
    %dma_start3A_276 = arith.constant 0 : i32
    %dma_start3A_277 = arith.constant 0 : i32
    %dma_start3A_278 = tpu.memref_slice %arg8[%dma_start3A_276, %dma_start3A_277] : memref<100000x128xf32, #tpu.memory_space<hbm>> -> memref<100000x128xf32, #tpu.memory_space<hbm>>
    tpu.enqueue_indirect_dma source(%dma_start3A_278 : memref<100000x128xf32, #tpu.memory_space<hbm>>) target(%dma_start3A_273 : memref<128x128xf32, #tpu.memory_space<vmem>>) offsets(%dma_start3A_275 : memref<128xi32, #tpu.memory_space<vmem>>) semaphore(%arg19 : memref<!tpu.dma_semaphore, #tpu.memory_space<semaphore_mem>>)
    %dma_start3A_279 = arith.constant 128 : i32
    %dma_start3A_280 = arith.constant 0 : i32
    %dma_start3A_281 = tpu.memref_slice %arg17[%dma_start3A_279, %dma_start3A_280] : memref<256x128xf32, #tpu.memory_space<vmem>> -> memref<128x128xf32, #tpu.memory_space<vmem>>
    %dma_start3A_282 = arith.constant 384 : i32
    %dma_start3A_283 = tpu.memref_slice %arg15[%dma_start3A_282] : memref<512xi32, #tpu.memory_space<vmem>> -> memref<128xi32, #tpu.memory_space<vmem>>
    %dma_start3A_284 = arith.constant 0 : i32
    %dma_start3A_285 = arith.constant 0 : i32
    %dma_start3A_286 = tpu.memref_slice %arg8[%dma_start3A_284, %dma_start3A_285] : memref<100000x128xf32, #tpu.memory_space<hbm>> -> memref<100000x128xf32, #tpu.memory_space<hbm>>
    tpu.enqueue_indirect_dma source(%dma_start3A_286 : memref<100000x128xf32, #tpu.memory_space<hbm>>) target(%dma_start3A_281 : memref<128x128xf32, #tpu.memory_space<vmem>>) offsets(%dma_start3A_283 : memref<128xi32, #tpu.memory_space<vmem>>) semaphore(%arg19 : memref<!tpu.dma_semaphore, #tpu.memory_space<semaphore_mem>>)
    %dma_wait3A_287 = arith.constant 0 : i32
    %dma_wait3A_288 = arith.constant 0 : i32
    %dma_wait3A_289 = tpu.memref_slice %arg17[%dma_wait3A_287, %dma_wait3A_288] : memref<256x128xf32, #tpu.memory_space<vmem>> -> memref<128x128xf32, #tpu.memory_space<vmem>>
    %dma_wait3A_290 = arith.constant 256 : i32
    %dma_wait3A_291 = tpu.memref_slice %arg15[%dma_wait3A_290] : memref<512xi32, #tpu.memory_space<vmem>> -> memref<128xi32, #tpu.memory_space<vmem>>
    %dma_wait3A_292 = arith.constant 0 : i32
    %dma_wait3A_293 = arith.constant 0 : i32
    %dma_wait3A_294 = tpu.memref_slice %arg8[%dma_wait3A_292, %dma_wait3A_293] : memref<100000x128xf32, #tpu.memory_space<hbm>> -> memref<100000x128xf32, #tpu.memory_space<hbm>>
    tpu.wait_indirect_dma semaphore(%arg19 : memref<!tpu.dma_semaphore, #tpu.memory_space<semaphore_mem>>) src(%dma_wait3A_294 : memref<100000x128xf32, #tpu.memory_space<hbm>>) dst(%dma_wait3A_289 : memref<128x128xf32, #tpu.memory_space<vmem>>)
    %dma_wait3A_295 = arith.constant 128 : i32
    %dma_wait3A_296 = arith.constant 0 : i32
    %dma_wait3A_297 = tpu.memref_slice %arg17[%dma_wait3A_295, %dma_wait3A_296] : memref<256x128xf32, #tpu.memory_space<vmem>> -> memref<128x128xf32, #tpu.memory_space<vmem>>
    %dma_wait3A_298 = arith.constant 384 : i32
    %dma_wait3A_299 = tpu.memref_slice %arg15[%dma_wait3A_298] : memref<512xi32, #tpu.memory_space<vmem>> -> memref<128xi32, #tpu.memory_space<vmem>>
    %dma_wait3A_300 = arith.constant 0 : i32
    %dma_wait3A_301 = arith.constant 0 : i32
    %dma_wait3A_302 = tpu.memref_slice %arg8[%dma_wait3A_300, %dma_wait3A_301] : memref<100000x128xf32, #tpu.memory_space<hbm>> -> memref<100000x128xf32, #tpu.memory_space<hbm>>
    tpu.wait_indirect_dma semaphore(%arg19 : memref<!tpu.dma_semaphore, #tpu.memory_space<semaphore_mem>>) src(%dma_wait3A_302 : memref<100000x128xf32, #tpu.memory_space<hbm>>) dst(%dma_wait3A_297 : memref<128x128xf32, #tpu.memory_space<vmem>>)
    %add3A_303 = arith.constant 256 : i32
    %add3A_304 = arith.addi %mul3A_2, %add3A_303 : i32
    "tpu.region"() ({
      %run_scoped3A = tpu.sem_alloc : memref<!tpu.dma_semaphore, #tpu.memory_space<semaphore_mem>>
      %dma_start3A_337 = arith.constant 0 : i32
      %dma_start3A_338 = tpu.memref_slice %arg13[%add3A_304, %dma_start3A_337] : memref<16384x128xf32, #tpu.memory_space<hbm>> -> memref<256x128xf32, #tpu.memory_space<hbm>>
      %dma_start3A_339 = arith.constant 0 : i32
      %dma_start3A_340 = tpu.memref_slice %arg13[%add3A_304, %dma_start3A_339] : memref<16384x128xf32, #tpu.memory_space<hbm>> -> memref<256x128xf32, #tpu.memory_space<hbm>>
      tpu.enqueue_dma source(%arg17 : memref<256x128xf32, #tpu.memory_space<vmem>>) target(%dma_start3A_340 : memref<256x128xf32, #tpu.memory_space<hbm>>) target_semaphore(%run_scoped3A : memref<!tpu.dma_semaphore, #tpu.memory_space<semaphore_mem>>)
      %dma_wait3A_341 = arith.constant 0 : i32
      %dma_wait3A_342 = tpu.memref_slice %arg13[%add3A_304, %dma_wait3A_341] : memref<16384x128xf32, #tpu.memory_space<hbm>> -> memref<256x128xf32, #tpu.memory_space<hbm>>
      %dma_wait3A_343 = arith.constant 0 : i32
      %dma_wait3A_344 = tpu.memref_slice %arg13[%add3A_304, %dma_wait3A_343] : memref<16384x128xf32, #tpu.memory_space<hbm>> -> memref<256x128xf32, #tpu.memory_space<hbm>>
      tpu.wait_dma2 semaphore(%run_scoped3A : memref<!tpu.dma_semaphore, #tpu.memory_space<semaphore_mem>>) src(%arg17 : memref<256x128xf32, #tpu.memory_space<vmem>>) dst(%dma_wait3A_344 : memref<256x128xf32, #tpu.memory_space<hbm>>)
      tpu.yield
    }) : () -> ()
    %dma_wait3A_305 = arith.constant 0 : i32
    %dma_wait3A_306 = arith.constant 0 : i32
    %dma_wait3A_307 = tpu.memref_slice %arg16[%dma_wait3A_305, %dma_wait3A_306] : memref<512x128xf32, #tpu.memory_space<vmem>> -> memref<128x128xf32, #tpu.memory_space<vmem>>
    %dma_wait3A_308 = arith.constant 0 : i32
    %dma_wait3A_309 = tpu.memref_slice %arg14[%dma_wait3A_308] : memref<512xi32, #tpu.memory_space<vmem>> -> memref<128xi32, #tpu.memory_space<vmem>>
    %dma_wait3A_310 = arith.constant 0 : i32
    %dma_wait3A_311 = arith.constant 0 : i32
    %dma_wait3A_312 = tpu.memref_slice %arg7[%dma_wait3A_310, %dma_wait3A_311] : memref<500000x128xf32, #tpu.memory_space<hbm>> -> memref<500000x128xf32, #tpu.memory_space<hbm>>
    tpu.wait_indirect_dma semaphore(%arg18 : memref<!tpu.dma_semaphore, #tpu.memory_space<semaphore_mem>>) src(%dma_wait3A_312 : memref<500000x128xf32, #tpu.memory_space<hbm>>) dst(%dma_wait3A_307 : memref<128x128xf32, #tpu.memory_space<vmem>>)
    %dma_wait3A_313 = arith.constant 128 : i32
    %dma_wait3A_314 = arith.constant 0 : i32
    %dma_wait3A_315 = tpu.memref_slice %arg16[%dma_wait3A_313, %dma_wait3A_314] : memref<512x128xf32, #tpu.memory_space<vmem>> -> memref<128x128xf32, #tpu.memory_space<vmem>>
    %dma_wait3A_316 = arith.constant 128 : i32
    %dma_wait3A_317 = tpu.memref_slice %arg14[%dma_wait3A_316] : memref<512xi32, #tpu.memory_space<vmem>> -> memref<128xi32, #tpu.memory_space<vmem>>
    %dma_wait3A_318 = arith.constant 0 : i32
    %dma_wait3A_319 = arith.constant 0 : i32
    %dma_wait3A_320 = tpu.memref_slice %arg7[%dma_wait3A_318, %dma_wait3A_319] : memref<500000x128xf32, #tpu.memory_space<hbm>> -> memref<500000x128xf32, #tpu.memory_space<hbm>>
    tpu.wait_indirect_dma semaphore(%arg18 : memref<!tpu.dma_semaphore, #tpu.memory_space<semaphore_mem>>) src(%dma_wait3A_320 : memref<500000x128xf32, #tpu.memory_space<hbm>>) dst(%dma_wait3A_315 : memref<128x128xf32, #tpu.memory_space<vmem>>)
    %dma_wait3A_321 = arith.constant 256 : i32
    %dma_wait3A_322 = arith.constant 0 : i32
    %dma_wait3A_323 = tpu.memref_slice %arg16[%dma_wait3A_321, %dma_wait3A_322] : memref<512x128xf32, #tpu.memory_space<vmem>> -> memref<128x128xf32, #tpu.memory_space<vmem>>
    %dma_wait3A_324 = arith.constant 256 : i32
    %dma_wait3A_325 = tpu.memref_slice %arg14[%dma_wait3A_324] : memref<512xi32, #tpu.memory_space<vmem>> -> memref<128xi32, #tpu.memory_space<vmem>>
    %dma_wait3A_326 = arith.constant 0 : i32
    %dma_wait3A_327 = arith.constant 0 : i32
    %dma_wait3A_328 = tpu.memref_slice %arg7[%dma_wait3A_326, %dma_wait3A_327] : memref<500000x128xf32, #tpu.memory_space<hbm>> -> memref<500000x128xf32, #tpu.memory_space<hbm>>
    tpu.wait_indirect_dma semaphore(%arg18 : memref<!tpu.dma_semaphore, #tpu.memory_space<semaphore_mem>>) src(%dma_wait3A_328 : memref<500000x128xf32, #tpu.memory_space<hbm>>) dst(%dma_wait3A_323 : memref<128x128xf32, #tpu.memory_space<vmem>>)
    %dma_wait3A_329 = arith.constant 384 : i32
    %dma_wait3A_330 = arith.constant 0 : i32
    %dma_wait3A_331 = tpu.memref_slice %arg16[%dma_wait3A_329, %dma_wait3A_330] : memref<512x128xf32, #tpu.memory_space<vmem>> -> memref<128x128xf32, #tpu.memory_space<vmem>>
    %dma_wait3A_332 = arith.constant 384 : i32
    %dma_wait3A_333 = tpu.memref_slice %arg14[%dma_wait3A_332] : memref<512xi32, #tpu.memory_space<vmem>> -> memref<128xi32, #tpu.memory_space<vmem>>
    %dma_wait3A_334 = arith.constant 0 : i32
    %dma_wait3A_335 = arith.constant 0 : i32
    %dma_wait3A_336 = tpu.memref_slice %arg7[%dma_wait3A_334, %dma_wait3A_335] : memref<500000x128xf32, #tpu.memory_space<hbm>> -> memref<500000x128xf32, #tpu.memory_space<hbm>>
    tpu.wait_indirect_dma semaphore(%arg18 : memref<!tpu.dma_semaphore, #tpu.memory_space<semaphore_mem>>) src(%dma_wait3A_336 : memref<500000x128xf32, #tpu.memory_space<hbm>>) dst(%dma_wait3A_331 : memref<128x128xf32, #tpu.memory_space<vmem>>)
    "tpu.region"() ({
      %run_scoped3A = tpu.sem_alloc : memref<!tpu.dma_semaphore, #tpu.memory_space<semaphore_mem>>
      %dma_start3A_337 = arith.constant 0 : i32
      %dma_start3A_338 = tpu.memref_slice %arg9[%mul3A_2, %dma_start3A_337] : memref<16384x128xf32, #tpu.memory_space<hbm>> -> memref<512x128xf32, #tpu.memory_space<hbm>>
      %dma_start3A_339 = arith.constant 0 : i32
      %dma_start3A_340 = tpu.memref_slice %arg9[%mul3A_2, %dma_start3A_339] : memref<16384x128xf32, #tpu.memory_space<hbm>> -> memref<512x128xf32, #tpu.memory_space<hbm>>
      tpu.enqueue_dma source(%arg16 : memref<512x128xf32, #tpu.memory_space<vmem>>) target(%dma_start3A_340 : memref<512x128xf32, #tpu.memory_space<hbm>>) target_semaphore(%run_scoped3A : memref<!tpu.dma_semaphore, #tpu.memory_space<semaphore_mem>>)
      %dma_wait3A_341 = arith.constant 0 : i32
      %dma_wait3A_342 = tpu.memref_slice %arg9[%mul3A_2, %dma_wait3A_341] : memref<16384x128xf32, #tpu.memory_space<hbm>> -> memref<512x128xf32, #tpu.memory_space<hbm>>
      %dma_wait3A_343 = arith.constant 0 : i32
      %dma_wait3A_344 = tpu.memref_slice %arg9[%mul3A_2, %dma_wait3A_343] : memref<16384x128xf32, #tpu.memory_space<hbm>> -> memref<512x128xf32, #tpu.memory_space<hbm>>
      tpu.wait_dma2 semaphore(%run_scoped3A : memref<!tpu.dma_semaphore, #tpu.memory_space<semaphore_mem>>) src(%arg16 : memref<512x128xf32, #tpu.memory_space<vmem>>) dst(%dma_wait3A_344 : memref<512x128xf32, #tpu.memory_space<hbm>>)
      tpu.yield
    }) : () -> ()
    return
  }
}

</mosaic_0001>

<sc_bundles>
// kernel: _sc_gather.3.cloned.1.call-start
scs
__scs_entry_jumppad:
0x0: {  	(pc) =	sbr.rel $0x88, $3  }
0x1: {  	(tag) =	ssettag $0x0;
	lr =	simm.s32 $0x1  }
0x2: {  	[smem:$0x3F9A] =	sst lr;
	_ =	strace $0xD0000000  }
0x3: {  	_ = 	snop  }
0x4: {  	_ = 	snop  }
0x5: {  	_ = 	snop  }
0x6: {  	_ = 	snop  }
0x7: {  	_ = 	snop  }
__scs_overlays_trampoline_lowered:
0x8: {  	[smem:$0x3FA9] =	sst s0  }
0x9: {  	[smem:$0x3FAA] =	sst s1  }
0xa: {  	[smem:$0x3FAB] =	sst s2  }
0xb: {  	[smem:$0x3FAC] =	sst s3  }
0xc: {  	[smem:$0x3FAD] =	sst s4  }
0xd: {  	[smem:$0x3FAE] =	sst s5  }
0xe: {  	[smem:$0x3FAF] =	sst s6  }
0xf: {  	[smem:$0x3FB0] =	sst s7  }
0x10: {  	[smem:$0x3FB1] =	sst s8  }
0x11: {  	[smem:$0x3FB2] =	sst s9;
	s0 =	simm.s32 @!p0 $0x0  }
0x12: {  	s1 =	sld [smem:$0x3F98];
	s0 =	simm.s32 @p0 $0x1  }
0x13: {  	[smem:$0x3FB3] =	sst s0;
	s0 =	simm.s32 @!p1 $0x0  }
0x14: {  	s2 =	sld [smem:$0x3F97];
	s0 =	simm.s32 @p1 $0x1  }
0x15: {  	[smem:$0x3FB4] =	sst s0;
	s0 =	simm.s32 @!p2 $0x0  }
0x16: {  	s3 =	sld [smem:$0x3FDB];
	s0 =	simm.s32 @p2 $0x1  }
0x17: {  	s4 =	simm.s32 $0x1BF5;
	[smem:$0x3FB6] =	sst s0  }
0x18: {  	s0 =	sld [smem:$0x3F99];
	_ =	swait.ge [sflag:s4], $0x0  }
0x19: {  	s7 =	sld [smem:$0x3F9A]  }
0x1a: {  	s8 =	sadd.s32 $0xFFFFE003, lr  }
0x1b: {  	s9 =	sadd.s32 $0xFFFFFEF7, lr;
	s5 =	simm.s32 $0xFFFFFFFF;
	p2 =	slt.u32 s8, $0xFFFFF086  }
0x1c: {  	p1 =	slt.u32 s9, $0xF7A;
	s5 =	simm.s32 @!p2 $0x0  }
0x1d: {  	s5 =	simm.s32 @p1 $0x1;
	p0 =	seq.s32 s7, s2  }
0x1e: {  	s7 =	smul.u32 @!p0 $0xF7A, s2;
	p2 =	seq.s32 @!p0 s5, $0x0  }
0x1f: {  	s9 =	smul.u32 $0xF7A, s1;
	s8 =	simm.s32 @!p0 $0x1BF5;
	p2 =	por !p2, p0  }
0x20: {  	[sflag:s8] =	ssyncset.s32 @!p0 $0xFFFFF086;
	s6 =	sadd.s32 @!p0 s3, s7;
	s7 =	simm.s32 @!p0 $0x108  }
0x21: {  	s3 =	sadd.s32 s3, s9;
	s6 =	sadd.s32 @!p0 $0x88, s6;
	s7 =	simm.s32 @p2 $0x1082  }
0x22: {  	[simem:s7], [sflag:s8] =	dma.local @!p0 [hbm:s6], $0xF7A  }
0x23: {  	s9 =	sor.u32 $0xD0000000, s2;
	s6 =	simm.s32 $0x108;
	_ =	swait.ge @!p0 [sflag:s8], $0x0  }
0x24: {  	s3 =	sadd.s32 $0x88, s3;
	s6 =	simm.s32 @!p1 $0x1082;
	[sflag:s4] =	ssyncset.s32 $0xFFFFF086  }
0x25: {  	[simem:s6], [sflag:s4] =	dma.local [hbm:s3], $0xF7A  }
0x26: {  	[smem:$0x3F9A] =	sst s1;
	(tag) =	ssettag s2;
	_ =	strace s9  }
0x27: {  	s1 =	sld [smem:$0x3FAA]  }
0x28: {  	s2 =	sld [smem:$0x3FAB]  }
0x29: {  	s4 =	sld [smem:$0x3FAD]  }
0x2a: {  	p0 =	seq.s32 s5, $0x0;
	s5 =	sld [smem:$0x3FAE]  }
0x2b: {  	s6 =	sld [smem:$0x3FAF]  }
0x2c: {  	s7 =	sld [smem:$0x3FB0]  }
0x2d: {  	s3 =	simm.s32 $0x108;
	s8 =	sld [smem:$0x3FB1]  }
0x2e: {  	s3 =	simm.s32 @!p0 $0x1082;
	s9 =	sld [smem:$0x3FB2]  }
0x2f: {  	lr =	sadd.s32 s0, s3;
	s0 =	sld [smem:$0x3FA9]  }
0x30: {  	s3 =	sld [smem:$0x3FAC]  }
0x31: {  	[smem:$0x3FB5] =	sst s10  }
0x32: {  	s10 =	sld [smem:$0x3FB3];
	_ =	sdelay $0x3  }
0x33: {  	p0 =	seq.s32 s10, $0x1;
	s10 =	sld [smem:$0x3FB5];
	_ =	sdelay $0x3  }
0x34: {  	[smem:$0x3FB5] =	sst s10  }
0x35: {  	s10 =	sld [smem:$0x3FB4];
	_ =	sdelay $0x3  }
0x36: {  	p1 =	seq.s32 s10, $0x1;
	s10 =	sld [smem:$0x3FB5];
	_ =	sdelay $0x3  }
0x37: {  	[smem:$0x3FB5] =	sst s10  }
0x38: {  	s10 =	sld [smem:$0x3FB6]  }
0x39: {  	_ = 	snop;
	(pc) =	sbr.ind lr, $3  }
0x3a: {  	_ = 	snop  }
0x3b: {  	_ = 	snop  }
0x3c: {  	p2 =	seq.s32 s10, $0x1;
	s10 =	sld [smem:$0x3FB5]  }
0x3d: {  	_ =	shalt  }
0x3e: {  	_ =	shalt  }
0x3f: {  	_ =	shalt  }
0x40: {  	_ =	shalt  }
0x41: {  	_ =	shalt  }
0x42: {  	_ =	shalt  }
0x43: {  	_ =	shalt  }
0x44: {  	_ =	shalt  }
0x45: {  	_ =	shalt  }
0x46: {  	_ =	shalt  }
0x47: {  	_ =	shalt  }
0x48: {  	_ =	shalt  }
0x49: {  	_ =	shalt  }
0x4a: {  	_ =	shalt  }
0x4b: {  	_ =	shalt  }
0x4c: {  	_ =	shalt  }
0x4d: {  	_ =	shalt  }
0x4e: {  	_ =	shalt  }
0x4f: {  	_ =	shalt  }
0x50: {  	_ =	shalt  }
0x51: {  	_ =	shalt  }
0x52: {  	_ =	shalt  }
0x53: {  	_ =	shalt  }
0x54: {  	_ =	shalt  }
0x55: {  	_ =	shalt  }
0x56: {  	_ =	shalt  }
0x57: {  	_ =	shalt  }
0x58: {  	_ =	shalt  }
0x59: {  	_ =	shalt  }
0x5a: {  	_ =	shalt  }
0x5b: {  	_ =	shalt  }
0x5c: {  	_ =	shalt  }
0x5d: {  	_ =	shalt  }
0x5e: {  	_ =	shalt  }
0x5f: {  	_ =	shalt  }
0x60: {  	_ =	shalt  }
0x61: {  	_ =	shalt  }
0x62: {  	_ =	shalt  }
0x63: {  	_ =	shalt  }
0x64: {  	_ =	shalt  }
0x65: {  	_ =	shalt  }
0x66: {  	_ =	shalt  }
0x67: {  	_ =	shalt  }
0x68: {  	_ =	shalt  }
0x69: {  	_ =	shalt  }
0x6a: {  	_ =	shalt  }
0x6b: {  	_ =	shalt  }
0x6c: {  	_ =	shalt  }
0x6d: {  	_ =	shalt  }
0x6e: {  	_ =	shalt  }
0x6f: {  	_ =	shalt  }
0x70: {  	_ =	shalt  }
0x71: {  	_ =	shalt  }
0x72: {  	_ =	shalt  }
0x73: {  	_ =	shalt  }
0x74: {  	_ =	shalt  }
0x75: {  	_ =	shalt  }
0x76: {  	_ =	shalt  }
0x77: {  	_ =	shalt  }
0x78: {  	_ =	shalt  }
0x79: {  	_ =	shalt  }
0x7a: {  	_ =	shalt  }
0x7b: {  	_ =	shalt  }
0x7c: {  	_ =	shalt  }
0x7d: {  	_ =	shalt  }
0x7e: {  	_ =	shalt  }
0x7f: {  	_ =	shalt  }
0x80: {  	_ =	shalt  }
0x81: {  	_ =	shalt  }
0x82: {  	_ =	shalt  }
0x83: {  	_ =	shalt  }
0x84: {  	_ =	shalt  }
0x85: {  	_ =	shalt  }
0x86: {  	_ =	shalt  }
0x87: {  	_ =	shalt  }
.Lfunc_end0:
.L_simem_size_0:
called_computation_lowered:
.L_overlay_start_0:
0x88: {  	s2 =	sld [smem:$0x3FD9]  }
0x89: {  	s3 =	sld [smem:$0x3FFE];
	_ =	sdelay $0x1  }
0x8a: {  	s1 =	srdreg.scid  }
0x8b: {  	s0 =	sand.u32 $0x1, s1  }
0x8c: {  	s28 =	sshll.u32 s0, $0xA;
	s2 =	sadd.s32 s3, s2  }
0x8d: {  	s2 =	sadd.s32 s2, s28  }
0x8e: {  	[smem:$0x3FC1] =	sst s2  }
0x8f: {  	_ = 	snop  }
0x90: {  	s2 =	sld [smem:$0x3FC9]  }
0x91: {  	s29 =	sld [smem:$0x3FC8]  }
0x92: {  	s4 =	sld [smem:$0x3FC7]  }
0x93: {  	s5 =	sld [smem:$0x3FC6]  }
0x94: {  	s6 =	sld [smem:$0x3FD0]  }
0x95: {  	s7 =	sld [smem:$0x3FC5]  }
0x96: {  	s8 =	sld [smem:$0x3FC4]  }
0x97: {  	s10 =	simm.s32 $0xA;
	s11 =	simm.s32 $0x10;
	s9 =	sld [smem:$0x3FC3]  }
0x98: {  	[smem:s11], [sflag:s10] =	dma.local [hbm:s6], $0x1  }
0x99: {  	_ =	swait.eq [sflag:s10], $0x1  }
0x9a: {  	s30 =	sld [smem:$0x10]  }
0x9b: {  	s31 =	sld [smem:$0x11]  }
0x9c: {  	s12 =	sld [smem:$0x12];
	[sflag:s10] =	ssyncset.done $0x0  }
0x9d: {  	s13 =	sld [smem:$0x13];
	[sflag:s10] =	ssyncadd.s32 $0xFFFFFFFF  }
0x9e: {  	s19 =	sld [smem:$0x14];
	(tm) =	ssettm $0x1  }
0x9f: {  	s14 =	sld [smem:$0x3FFB];
	_ =	sdelay $0x3  }
0xa0: {  	_ =	strace s14  }
0xa1: {  	s14 =	sld [smem:$0x3FFC];
	_ =	sdelay $0x3  }
0xa2: {  	_ =	strace s14  }
0xa3: {  	s14 =	sld [smem:$0x3FFD];
	_ =	sdelay $0x3  }
0xa4: {  	_ =	strace s14  }
0xa5: {  	_ =	strace $0x8FFFFFFF  }
0xa6: {  	s20 =	sld [smem:$0x3FDB];
	_ =	sdelay $0x1  }
0xa7: {  	s15 =	simm.s32 $_scs_section_size  }
0xa8: {  	s16 =	simm.s32 $_size__tile_overlayer_lowered;
	s17 =	simm.s32 $_tile_overlayer_lowered  }
0xa9: {  	s23 =	simm.s32 $0x1BFF;
	s22 =	sshll.u32 s17, $0x1;
	s14 =	sadd.s32 s15, s20  }
0xaa: {  	s18 =	simm.s32 $0x0;
	s21 =	sshll.u32 s16, $0x1;
	s16 =	sadd.s32 s22, s14  }
0xab: {  	[timem:s18], [sflag:s23] =	dma.local [hbm:s16], s21  }
0xac: {  	_ =	swait.ge [sflag:s23], s21  }
0xad: {  	s15 =	ssub.s32 $0x0, s21;
	[sflag:s23] =	ssyncset.done $0x0  }
0xae: {  	[sflag:s23] =	ssyncadd.s32 s15;
	_ =	sdelay $0x1  }
0xaf: {  	s24 =	simm.s32 $0x1B8B  }
0xb0: {  	_ =	swait.ge [sflag:s24], $0x1  }
0xb1: {  	[sflag:s24] =	ssyncset.done $0x0  }
0xb2: {  	s25 =	simm.s32 $0x1B8E;
	[sflag:s24] =	ssyncadd.s32 $0xFFFFFFFF  }
0xb3: {  	s26 =	simm.s32 $execute0_lowered;
	[smem:$0x3FD2] =	sst s25  }
0xb4: {  	s15 =	sshll.u32 s26, $0x1;
	_ =	strace $0x80000046;
	[dreg:$0x1] =	wrdreg $0xFFFFFFFF  }
0xb5: {  	s28 =	simm.s32 $_size_execute0_lowered;
	s14 =	sadd.s32 s14, s15;
	[dreg:$0x0] =	wrdreg $0x0  }
0xb6: {  	s15 =	sshll.u32 s28, $0x1;
	[dreg:$0x2] =	wrdreg s14  }
0xb7: {  	[dreg:$0x3] =	wrdreg s15  }
0xb8: {  	[dreg:$0x4] =	wrdreg $0xC0  }
0xb9: {  	_ =	task [dreg:s18], $0x5FFFF  }
0xba: {  	[dreg:$0x1] =	wrdreg $0xFFFFFFFF  }
0xbb: {  	[dreg:$0x0] =	wrdreg $0x60  }
0xbc: {  	[dreg:$0x2] =	wrdreg s2  }
0xbd: {  	[dreg:$0x3] =	wrdreg s29  }
0xbe: {  	[dreg:$0x4] =	wrdreg s4  }
0xbf: {  	[dreg:$0x5] =	wrdreg s5  }
0xc0: {  	[dreg:$0x6] =	wrdreg s7  }
0xc1: {  	[dreg:$0x7] =	wrdreg s8  }
0xc2: {  	[dreg:$0x8] =	wrdreg s9  }
0xc3: {  	[dreg:$0x9] =	wrdreg s30  }
0xc4: {  	[dreg:$0xa] =	wrdreg s31  }
0xc5: {  	[dreg:$0xb] =	wrdreg s12  }
0xc6: {  	[dreg:$0xc] =	wrdreg s13  }
0xc7: {  	[dreg:$0xd] =	wrdreg s19  }
0xc8: {  	[dreg:$0xe] =	wrdreg $0x9  }
0xc9: {  	_ =	task.clear_ibuf [dreg:s18], $0xFFFFF;
	_ =	strace $0x90000046  }
0xca: {  	s29 =	simm.s32 $0x9;
	_ =	strace $0x80000048  }
0xcb: {  	_ =	swait.ge [sflag:s29], $0x1  }
0xcc: {  	[sflag:s29] =	ssyncadd.s32 $0xFFFFFFFF  }
0xcd: {  	_ =	strace $0x90000048  }
0xce: {  	_ =	sfence  }
0xcf: {  	s30 =	sld [smem:$0x0];
	_ =	sdelay $0x2  }
0xd0: {  	s31 =	sshll.u32 s1, $0xD;
	s1 =	sshrl.u32 s1, $0x2  }
0xd1: {  	s3 =	sand.u32 $0x4000, s31;
	s1 =	sadd.s32 s1, s30  }
0xd2: {  	s0 =	sor.u32 s3, s0;
	s1 =	sshll.u32 s1, $0x11  }
0xd3: {  	s0 =	sor.u32 s1, s0  }
0xd4: {  	s0 =	sadd.s32 $0x8F2B, s0  }
0xd5: {  	[sflag:s0] =	ssyncadd.remote.s32 $0x1  }
0xd6: {  	_ =	sfence.sel $0xFFFF  }
0xd7: {  	[dreg:$0x0] =	wrdreg $0xFFFFFFFF;
	(pc) =	sbr.abs _section_cstart, $3  }
0xd8: {  	[dreg:$0x1] =	wrdreg $0xFFFFFFFF  }
0xd9: {  	_ =	task.clear_ibuf [dreg:s18], $0x2FFFF;
	_ =	strace $0x9FFFFFFF  }
0xda: {  	(tm) =	ssettm $0x7FFFFFFF  }
0xdb: {  	_ =	shalt  }
tec
execute0_lowered:
.L_overlay_start_1:
0x0: {  	(tag) =	ssettag $0x1  }
0x1: {  	s1 =	rddreg [dreg:$0x0]  }
0x2: {  	s5 =	rddreg [dreg:$0x1]  }
0x3: {  	s20 =	rddreg [dreg:$0x2]  }
0x4: {  	s23 =	rddreg [dreg:$0x3]  }
0x5: {  	s26 =	rddreg [dreg:$0x4]  }
0x6: {  	s0 =	rddreg [dreg:$0x5]  }
0x7: {  	s2 =	rddreg [dreg:$0x6];
	s4 =	srdreg.scid  }
0x8: {  	s6 =	rddreg [dreg:$0x8];
	s3 =	stileid.u32;
	s31 =	sand.u32 $0x1, s4  }
0x9: {  	s22 =	rddreg [dreg:$0x9];
	s7 =	sshll.u32 s3, $0xA;
	s8 =	sshll.u32 s31, $0x9  }
0xa: {  	s25 =	rddreg [dreg:$0xa];
	s7 =	sor.u32 s8, s7  }
0xb: {  	s29 =	rddreg [dreg:$0xb];
	s4 =	simm.s32 $0x0;
	s28 =	sshrl.u32 s7, $0x3  }
0xc: {  	[smem:$0x7FF] =	sst s4;
	s1 =	sadd.s32 s1, s28  }
0xd: {  	_ =	strace $0x80000047;
	s18 =	sadd.s32 s5, s28;
	[dreg:$0xd] =	wrdreg s1  }
0xe: {  	[dreg:$0xe] =	wrdreg s18;
	s1 =	sshll.u32 s7, $0x4  }
0xf: {  	s19 =	sadd.s32 s6, s1;
	s30 =	sor.u32 $0x1000, s1;
	s21 =	rddreg [dreg:$0xd]  }
0x10: {  	[dreg:$0xf] =	wrdreg s19;
	s24 =	sadd.s32 s6, s30  }
0x11: {  	[tilespmem:s4], [sflag:$0x3] =	stream.linear.gather [hbm4b:s21+s4], $0x200, $0x38;
	[tilespmem:$0x18400] =	vst v63  }
0x12: {  	s5 =	simm.s32 $0x3;
	[dreg:$0x10] =	wrdreg s24  }
0x13: {  	_ =	swait.ge [sflag:s5], $0x200  }
0x14: {  	[sflag:s5] =	ssyncset.done $0x0  }
0x15: {  	s7 =	simm.s32 $0x400;
	s6 =	simm.s32 $0x80;
	[sflag:s5] =	ssyncadd.s32 $0xFFFFFE00  }
0x16: {  	[tilespmem:s7], [sflag:$0x1] =	stream.indirect.gather [hbm4b:s0+s6], $0x80, s4, s6, $0xb8;
	[tilespmem:$0x18400] =	vst v63  }
0x17: {  	s8 =	simm.s32 $0x4400  }
0x18: {  	[tilespmem:s8], [sflag:$0x1] =	stream.indirect.gather [hbm4b:s0+s6], $0x80, s6, s6, $0xb8;
	[tilespmem:$0x18400] =	vst v63  }
0x19: {  	s9 =	simm.s32 $0x100;
	s10 =	simm.s32 $0x8400  }
0x1a: {  	[tilespmem:s10], [sflag:$0x1] =	stream.indirect.gather [hbm4b:s0+s6], $0x80, s9, s6, $0xb8;
	[tilespmem:$0x18400] =	vst v63  }
0x1b: {  	s11 =	simm.s32 $0x180;
	s12 =	simm.s32 $0xC400  }
0x1c: {  	[tilespmem:s12], [sflag:$0x1] =	stream.indirect.gather [hbm4b:s0+s6], $0x80, s11, s6, $0xb8;
	[tilespmem:$0x18400] =	vst v63  }
0x1d: {  	s13 =	simm.s32 $0x200;
	s14 =	rddreg [dreg:$0xe]  }
0x1e: {  	[tilespmem:s13], [sflag:$0x3] =	stream.linear.gather [hbm4b:s14+s4], $0x200, $0x38;
	[tilespmem:$0x18400] =	vst v63  }
0x1f: {  	_ =	swait.ge [sflag:s5], $0x200  }
0x20: {  	[sflag:s5] =	ssyncset.done $0x0  }
0x21: {  	s14 =	simm.s32 $0x10400;
	[sflag:s5] =	ssyncadd.s32 $0xFFFFFE00  }
0x22: {  	[tilespmem:s14], [sflag:$0x2] =	stream.indirect.gather [hbm4b:s2+s6], $0x80, s13, s6, $0xb8;
	[tilespmem:$0x18400] =	vst v63  }
0x23: {  	s15 =	simm.s32 $0x280;
	s16 =	simm.s32 $0x14400;
	s17 =	simm.s32 $0x2  }
0x24: {  	[tilespmem:s16], [sflag:$0x2] =	stream.indirect.gather [hbm4b:s2+s6], $0x80, s15, s6, $0xb8;
	[tilespmem:$0x18400] =	vst v63  }
0x25: {  	_ =	swait.ge [sflag:s17], $0x4000  }
0x26: {  	[sflag:s17] =	ssyncset.done $0x0  }
0x27: {  	[sflag:s17] =	ssyncadd.s32 $0xFFFFC000  }
0x28: {  	_ =	swait.ge [sflag:s17], $0x4000  }
0x29: {  	[sflag:s17] =	ssyncset.done $0x0  }
0x2a: {  	s18 =	rddreg [dreg:$0xf];
	[sflag:s17] =	ssyncadd.s32 $0xFFFFC000  }
0x2b: {  	[hbm4b:s18+s4] =	stream.linear.scatter [tilespmem:s14], [sflag:$0x3], $0x8000, $0x38;
	[tilespmem:$0x18400] =	vst v63  }
0x2c: {  	_ =	swait.ge [sflag:s5], $0x8000  }
0x2d: {  	[sflag:s5] =	ssyncset.done $0x0  }
0x2e: {  	s18 =	simm.s32 $0x300;
	[sflag:s5] =	ssyncadd.s32 $0xFFFF8000  }
0x2f: {  	[tilespmem:s14], [sflag:$0x2] =	stream.indirect.gather [hbm4b:s2+s6], $0x80, s18, s6, $0xb8;
	[tilespmem:$0x18400] =	vst v63  }
0x30: {  	s19 =	simm.s32 $0x380  }
0x31: {  	[tilespmem:s16], [sflag:$0x2] =	stream.indirect.gather [hbm4b:s2+s6], $0x80, s19, s6, $0xb8;
	[tilespmem:$0x18400] =	vst v63  }
0x32: {  	_ =	swait.ge [sflag:s17], $0x4000  }
0x33: {  	[sflag:s17] =	ssyncset.done $0x0  }
0x34: {  	[sflag:s17] =	ssyncadd.s32 $0xFFFFC000  }
0x35: {  	_ =	swait.ge [sflag:s17], $0x4000  }
0x36: {  	[sflag:s17] =	ssyncset.done $0x0  }
0x37: {  	s21 =	rddreg [dreg:$0x10];
	[sflag:s17] =	ssyncadd.s32 $0xFFFFC000  }
0x38: {  	[hbm4b:s21+s4] =	stream.linear.scatter [tilespmem:s14], [sflag:$0x3], $0x8000, $0x38;
	[tilespmem:$0x18400] =	vst v63  }
0x39: {  	_ =	swait.ge [sflag:s5], $0x8000  }
0x3a: {  	[sflag:s5] =	ssyncset.done $0x0  }
0x3b: {  	s20 =	sadd.s32 s20, s28;
	[sflag:s5] =	ssyncadd.s32 $0xFFFF8000  }
0x3c: {  	[tilespmem:s13], [sflag:$0x3] =	stream.linear.gather [hbm4b:s20+s4], $0x200, $0x38;
	[tilespmem:$0x18400] =	vst v63  }
0x3d: {  	_ =	swait.ge [sflag:s5], $0x200  }
0x3e: {  	[sflag:s5] =	ssyncset.done $0x0  }
0x3f: {  	[sflag:s5] =	ssyncadd.s32 $0xFFFFFE00  }
0x40: {  	[tilespmem:s14], [sflag:$0x2] =	stream.indirect.gather [hbm4b:s2+s6], $0x80, s13, s6, $0xb8;
	[tilespmem:$0x18400] =	vst v63  }
0x41: {  	_ = 	snop  }
0x42: {  	[tilespmem:s16], [sflag:$0x2] =	stream.indirect.gather [hbm4b:s2+s6], $0x80, s15, s6, $0xb8;
	[tilespmem:$0x18400] =	vst v63  }
0x43: {  	_ =	swait.ge [sflag:s17], $0x4000  }
0x44: {  	[sflag:s17] =	ssyncset.done $0x0  }
0x45: {  	[sflag:s17] =	ssyncadd.s32 $0xFFFFC000  }
0x46: {  	_ =	swait.ge [sflag:s17], $0x4000  }
0x47: {  	[sflag:s17] =	ssyncset.done $0x0  }
0x48: {  	s21 =	sadd.s32 s22, s1;
	[sflag:s17] =	ssyncadd.s32 $0xFFFFC000  }
0x49: {  	[hbm4b:s21+s4] =	stream.linear.scatter [tilespmem:s14], [sflag:$0x3], $0x8000, $0x38;
	[tilespmem:$0x18400] =	vst v63  }
0x4a: {  	_ =	swait.ge [sflag:s5], $0x8000  }
0x4b: {  	[sflag:s5] =	ssyncset.done $0x0  }
0x4c: {  	[sflag:s5] =	ssyncadd.s32 $0xFFFF8000  }
0x4d: {  	[tilespmem:s14], [sflag:$0x2] =	stream.indirect.gather [hbm4b:s2+s6], $0x80, s18, s6, $0xb8;
	[tilespmem:$0x18400] =	vst v63  }
0x4e: {  	_ = 	snop  }
0x4f: {  	[tilespmem:s16], [sflag:$0x2] =	stream.indirect.gather [hbm4b:s2+s6], $0x80, s19, s6, $0xb8;
	[tilespmem:$0x18400] =	vst v63  }
0x50: {  	_ =	swait.ge [sflag:s17], $0x4000  }
0x51: {  	[sflag:s17] =	ssyncset.done $0x0  }
0x52: {  	[sflag:s17] =	ssyncadd.s32 $0xFFFFC000  }
0x53: {  	_ =	swait.ge [sflag:s17], $0x4000  }
0x54: {  	[sflag:s17] =	ssyncset.done $0x0  }
0x55: {  	s22 =	sadd.s32 s22, s30;
	[sflag:s17] =	ssyncadd.s32 $0xFFFFC000  }
0x56: {  	[hbm4b:s22+s4] =	stream.linear.scatter [tilespmem:s14], [sflag:$0x3], $0x8000, $0x38;
	[tilespmem:$0x18400] =	vst v63  }
0x57: {  	_ =	swait.ge [sflag:s5], $0x8000  }
0x58: {  	[sflag:s5] =	ssyncset.done $0x0  }
0x59: {  	s23 =	sadd.s32 s23, s28;
	[sflag:s5] =	ssyncadd.s32 $0xFFFF8000  }
0x5a: {  	[tilespmem:s13], [sflag:$0x3] =	stream.linear.gather [hbm4b:s23+s4], $0x200, $0x38;
	[tilespmem:$0x18400] =	vst v63  }
0x5b: {  	_ =	swait.ge [sflag:s5], $0x200  }
0x5c: {  	[sflag:s5] =	ssyncset.done $0x0  }
0x5d: {  	[sflag:s5] =	ssyncadd.s32 $0xFFFFFE00  }
0x5e: {  	[tilespmem:s14], [sflag:$0x2] =	stream.indirect.gather [hbm4b:s2+s6], $0x80, s13, s6, $0xb8;
	[tilespmem:$0x18400] =	vst v63  }
0x5f: {  	_ = 	snop  }
0x60: {  	[tilespmem:s16], [sflag:$0x2] =	stream.indirect.gather [hbm4b:s2+s6], $0x80, s15, s6, $0xb8;
	[tilespmem:$0x18400] =	vst v63  }
0x61: {  	_ =	swait.ge [sflag:s17], $0x4000  }
0x62: {  	[sflag:s17] =	ssyncset.done $0x0  }
0x63: {  	[sflag:s17] =	ssyncadd.s32 $0xFFFFC000  }
0x64: {  	_ =	swait.ge [sflag:s17], $0x4000  }
0x65: {  	[sflag:s17] =	ssyncset.done $0x0  }
0x66: {  	s24 =	sadd.s32 s25, s1;
	[sflag:s17] =	ssyncadd.s32 $0xFFFFC000  }
0x67: {  	[hbm4b:s24+s4] =	stream.linear.scatter [tilespmem:s14], [sflag:$0x3], $0x8000, $0x38;
	[tilespmem:$0x18400] =	vst v63  }
0x68: {  	_ =	swait.ge [sflag:s5], $0x8000  }
0x69: {  	[sflag:s5] =	ssyncset.done $0x0  }
0x6a: {  	[sflag:s5] =	ssyncadd.s32 $0xFFFF8000  }
0x6b: {  	[tilespmem:s14], [sflag:$0x2] =	stream.indirect.gather [hbm4b:s2+s6], $0x80, s18, s6, $0xb8;
	[tilespmem:$0x18400] =	vst v63  }
0x6c: {  	_ = 	snop  }
0x6d: {  	[tilespmem:s16], [sflag:$0x2] =	stream.indirect.gather [hbm4b:s2+s6], $0x80, s19, s6, $0xb8;
	[tilespmem:$0x18400] =	vst v63  }
0x6e: {  	_ =	swait.ge [sflag:s17], $0x4000  }
0x6f: {  	[sflag:s17] =	ssyncset.done $0x0  }
0x70: {  	[sflag:s17] =	ssyncadd.s32 $0xFFFFC000  }
0x71: {  	_ =	swait.ge [sflag:s17], $0x4000  }
0x72: {  	[sflag:s17] =	ssyncset.done $0x0  }
0x73: {  	s25 =	sadd.s32 s25, s30;
	[sflag:s17] =	ssyncadd.s32 $0xFFFFC000  }
0x74: {  	[hbm4b:s25+s4] =	stream.linear.scatter [tilespmem:s14], [sflag:$0x3], $0x8000, $0x38;
	[tilespmem:$0x18400] =	vst v63  }
0x75: {  	_ =	swait.ge [sflag:s5], $0x8000  }
0x76: {  	[sflag:s5] =	ssyncset.done $0x0  }
0x77: {  	s26 =	sadd.s32 s26, s28;
	[sflag:s5] =	ssyncadd.s32 $0xFFFF8000  }
0x78: {  	[tilespmem:s13], [sflag:$0x3] =	stream.linear.gather [hbm4b:s26+s4], $0x200, $0x38;
	[tilespmem:$0x18400] =	vst v63  }
0x79: {  	_ =	swait.ge [sflag:s5], $0x200  }
0x7a: {  	[sflag:s5] =	ssyncset.done $0x0  }
0x7b: {  	[sflag:s5] =	ssyncadd.s32 $0xFFFFFE00  }
0x7c: {  	[tilespmem:s14], [sflag:$0x2] =	stream.indirect.gather [hbm4b:s2+s6], $0x80, s13, s6, $0xb8;
	[tilespmem:$0x18400] =	vst v63  }
0x7d: {  	_ = 	snop  }
0x7e: {  	[tilespmem:s16], [sflag:$0x2] =	stream.indirect.gather [hbm4b:s2+s6], $0x80, s15, s6, $0xb8;
	[tilespmem:$0x18400] =	vst v63  }
0x7f: {  	_ =	swait.ge [sflag:s17], $0x4000  }
0x80: {  	[sflag:s17] =	ssyncset.done $0x0  }
0x81: {  	[sflag:s17] =	ssyncadd.s32 $0xFFFFC000  }
0x82: {  	_ =	swait.ge [sflag:s17], $0x4000  }
0x83: {  	[sflag:s17] =	ssyncset.done $0x0  }
0x84: {  	s28 =	sadd.s32 s29, s1;
	[sflag:s17] =	ssyncadd.s32 $0xFFFFC000  }
0x85: {  	[hbm4b:s28+s4] =	stream.linear.scatter [tilespmem:s14], [sflag:$0x3], $0x8000, $0x38;
	[tilespmem:$0x18400] =	vst v63  }
0x86: {  	_ =	swait.ge [sflag:s5], $0x8000  }
0x87: {  	[sflag:s5] =	ssyncset.done $0x0  }
0x88: {  	[sflag:s5] =	ssyncadd.s32 $0xFFFF8000  }
0x89: {  	[tilespmem:s14], [sflag:$0x2] =	stream.indirect.gather [hbm4b:s2+s6], $0x80, s18, s6, $0xb8;
	[tilespmem:$0x18400] =	vst v63  }
0x8a: {  	_ = 	snop  }
0x8b: {  	[tilespmem:s16], [sflag:$0x2] =	stream.indirect.gather [hbm4b:s2+s6], $0x80, s19, s6, $0xb8;
	[tilespmem:$0x18400] =	vst v63  }
0x8c: {  	_ =	swait.ge [sflag:s17], $0x4000  }
0x8d: {  	[sflag:s17] =	ssyncset.done $0x0  }
0x8e: {  	[sflag:s17] =	ssyncadd.s32 $0xFFFFC000  }
0x8f: {  	_ =	swait.ge [sflag:s17], $0x4000  }
0x90: {  	[sflag:s17] =	ssyncset.done $0x0  }
0x91: {  	s29 =	sadd.s32 s29, s30;
	[sflag:s17] =	ssyncadd.s32 $0xFFFFC000  }
0x92: {  	[hbm4b:s29+s4] =	stream.linear.scatter [tilespmem:s14], [sflag:$0x3], $0x8000, $0x38;
	[tilespmem:$0x18400] =	vst v63  }
0x93: {  	_ =	swait.ge [sflag:s5], $0x8000  }
0x94: {  	[sflag:s5] =	ssyncset.done $0x0  }
0x95: {  	s30 =	simm.s32 $0x1;
	[sflag:s5] =	ssyncadd.s32 $0xFFFF8000  }
0x96: {  	_ =	swait.ge [sflag:s30], $0x4000  }
0x97: {  	[sflag:s30] =	ssyncset.done $0x0  }
0x98: {  	[sflag:s30] =	ssyncadd.s32 $0xFFFFC000  }
0x99: {  	_ =	swait.ge [sflag:s30], $0x4000  }
0x9a: {  	[sflag:s30] =	ssyncset.done $0x0  }
0x9b: {  	s31 =	ssub.s32 $0x2, s31;
	[sflag:s30] =	ssyncadd.s32 $0xFFFFC000  }
0x9c: {  	s3 =	sshrl.u32 s31, $0x1;
	_ =	swait.ge [sflag:s30], $0x4000  }
0x9d: {  	s3 =	ssub.s32 s31, s3;
	[sflag:s30] =	ssyncset.done $0x0  }
0x9e: {  	s3 =	smax.u32 s3, $0x1;
	[sflag:s30] =	ssyncadd.s32 $0xFFFFC000  }
0x9f: {  	p0 =	sne.s32 s3, $0x1;
	_ =	swait.ge [sflag:s30], $0x4000  }
.Ltmp0:
0xa0: {  	[sflag:s30] =	ssyncset.done $0x0;
	(pc) =	sbr.rel @!p0 .LBB2_2-.Ltmp0, $4  }
0xa1: {  	s31 =	rddreg [dreg:$0x7]  }
0xa2: {  	[sflag:s30] =	ssyncadd.s32 $0xFFFFC000;
	s31 =	sadd.s32 s31, s1  }
0xa3: {  	[hbm4b:s31+s4] =	stream.linear.scatter [tilespmem:s7], [sflag:$0x3], $0x10000, $0x38;
	[tilespmem:$0x18400] =	vst v63  }
0xa4: {  	s3 =	sadd.s32 $0xFFFFFFFF, s3;
	_ =	swait.ge [sflag:s5], $0x10000  }
.LBB2_1:
0xa5: {  	[sflag:s5] =	ssyncset.done $0x0  }
0xa6: {  	s1 =	rddreg [dreg:$0xd];
	[sflag:s5] =	ssyncadd.s32 $0xFFFF0000  }
0xa7: {  	[tilespmem:s4], [sflag:$0x3] =	stream.linear.gather [hbm4b:s1+s4], $0x200, $0x38;
	[tilespmem:$0x18400] =	vst v63  }
0xa8: {  	_ =	swait.ge [sflag:s5], $0x200  }
0xa9: {  	[sflag:s5] =	ssyncset.done $0x0  }
0xaa: {  	[sflag:s5] =	ssyncadd.s32 $0xFFFFFE00  }
0xab: {  	[tilespmem:s7], [sflag:$0x1] =	stream.indirect.gather [hbm4b:s0+s6], $0x80, s4, s6, $0xb8;
	[tilespmem:$0x18400] =	vst v63  }
0xac: {  	_ = 	snop  }
0xad: {  	[tilespmem:s8], [sflag:$0x1] =	stream.indirect.gather [hbm4b:s0+s6], $0x80, s6, s6, $0xb8;
	[tilespmem:$0x18400] =	vst v63  }
0xae: {  	_ = 	snop  }
0xaf: {  	[tilespmem:s10], [sflag:$0x1] =	stream.indirect.gather [hbm4b:s0+s6], $0x80, s9, s6, $0xb8;
	[tilespmem:$0x18400] =	vst v63  }
0xb0: {  	_ = 	snop  }
0xb1: {  	[tilespmem:s12], [sflag:$0x1] =	stream.indirect.gather [hbm4b:s0+s6], $0x80, s11, s6, $0xb8;
	[tilespmem:$0x18400] =	vst v63  }
0xb2: {  	s1 =	rddreg [dreg:$0xe]  }
0xb3: {  	[tilespmem:s13], [sflag:$0x3] =	stream.linear.gather [hbm4b:s1+s4], $0x200, $0x38;
	[tilespmem:$0x18400] =	vst v63  }
0xb4: {  	_ =	swait.ge [sflag:s5], $0x200  }
0xb5: {  	[sflag:s5] =	ssyncset.done $0x0  }
0xb6: {  	[sflag:s5] =	ssyncadd.s32 $0xFFFFFE00  }
0xb7: {  	[tilespmem:s14], [sflag:$0x2] =	stream.indirect.gather [hbm4b:s2+s6], $0x80, s13, s6, $0xb8;
	[tilespmem:$0x18400] =	vst v63  }
0xb8: {  	_ = 	snop  }
0xb9: {  	[tilespmem:s16], [sflag:$0x2] =	stream.indirect.gather [hbm4b:s2+s6], $0x80, s15, s6, $0xb8;
	[tilespmem:$0x18400] =	vst v63  }
0xba: {  	_ =	swait.ge [sflag:s17], $0x4000  }
0xbb: {  	[sflag:s17] =	ssyncset.done $0x0  }
0xbc: {  	[sflag:s17] =	ssyncadd.s32 $0xFFFFC000  }
0xbd: {  	_ =	swait.ge [sflag:s17], $0x4000  }
0xbe: {  	[sflag:s17] =	ssyncset.done $0x0  }
0xbf: {  	s1 =	rddreg [dreg:$0xf];
	[sflag:s17] =	ssyncadd.s32 $0xFFFFC000  }
0xc0: {  	[hbm4b:s1+s4] =	stream.linear.scatter [tilespmem:s14], [sflag:$0x3], $0x8000, $0x38;
	[tilespmem:$0x18400] =	vst v63  }
0xc1: {  	_ =	swait.ge [sflag:s5], $0x8000  }
0xc2: {  	[sflag:s5] =	ssyncset.done $0x0  }
0xc3: {  	[sflag:s5] =	ssyncadd.s32 $0xFFFF8000  }
0xc4: {  	[tilespmem:s14], [sflag:$0x2] =	stream.indirect.gather [hbm4b:s2+s6], $0x80, s18, s6, $0xb8;
	[tilespmem:$0x18400] =	vst v63  }
0xc5: {  	_ = 	snop  }
0xc6: {  	[tilespmem:s16], [sflag:$0x2] =	stream.indirect.gather [hbm4b:s2+s6], $0x80, s19, s6, $0xb8;
	[tilespmem:$0x18400] =	vst v63  }
0xc7: {  	_ =	swait.ge [sflag:s17], $0x4000  }
0xc8: {  	[sflag:s17] =	ssyncset.done $0x0  }
0xc9: {  	[sflag:s17] =	ssyncadd.s32 $0xFFFFC000  }
0xca: {  	_ =	swait.ge [sflag:s17], $0x4000  }
0xcb: {  	[sflag:s17] =	ssyncset.done $0x0  }
0xcc: {  	s1 =	rddreg [dreg:$0x10];
	[sflag:s17] =	ssyncadd.s32 $0xFFFFC000  }
0xcd: {  	[hbm4b:s1+s4] =	stream.linear.scatter [tilespmem:s14], [sflag:$0x3], $0x8000, $0x38;
	[tilespmem:$0x18400] =	vst v63  }
0xce: {  	_ =	swait.ge [sflag:s5], $0x8000  }
0xcf: {  	[sflag:s5] =	ssyncset.done $0x0  }
0xd0: {  	[sflag:s5] =	ssyncadd.s32 $0xFFFF8000  }
0xd1: {  	[tilespmem:s13], [sflag:$0x3] =	stream.linear.gather [hbm4b:s20+s4], $0x200, $0x38;
	[tilespmem:$0x18400] =	vst v63  }
0xd2: {  	_ =	swait.ge [sflag:s5], $0x200  }
0xd3: {  	[sflag:s5] =	ssyncset.done $0x0  }
0xd4: {  	[sflag:s5] =	ssyncadd.s32 $0xFFFFFE00  }
0xd5: {  	[tilespmem:s14], [sflag:$0x2] =	stream.indirect.gather [hbm4b:s2+s6], $0x80, s13, s6, $0xb8;
	[tilespmem:$0x18400] =	vst v63  }
0xd6: {  	_ = 	snop  }
0xd7: {  	[tilespmem:s16], [sflag:$0x2] =	stream.indirect.gather [hbm4b:s2+s6], $0x80, s15, s6, $0xb8;
	[tilespmem:$0x18400] =	vst v63  }
0xd8: {  	_ =	swait.ge [sflag:s17], $0x4000  }
0xd9: {  	[sflag:s17] =	ssyncset.done $0x0  }
0xda: {  	[sflag:s17] =	ssyncadd.s32 $0xFFFFC000  }
0xdb: {  	_ =	swait.ge [sflag:s17], $0x4000  }
0xdc: {  	[sflag:s17] =	ssyncset.done $0x0  }
0xdd: {  	[sflag:s17] =	ssyncadd.s32 $0xFFFFC000  }
0xde: {  	[hbm4b:s21+s4] =	stream.linear.scatter [tilespmem:s14], [sflag:$0x3], $0x8000, $0x38;
	[tilespmem:$0x18400] =	vst v63  }
0xdf: {  	_ =	swait.ge [sflag:s5], $0x8000  }
0xe0: {  	[sflag:s5] =	ssyncset.done $0x0  }
0xe1: {  	[sflag:s5] =	ssyncadd.s32 $0xFFFF8000  }
0xe2: {  	[tilespmem:s14], [sflag:$0x2] =	stream.indirect.gather [hbm4b:s2+s6], $0x80, s18, s6, $0xb8;
	[tilespmem:$0x18400] =	vst v63  }
0xe3: {  	_ = 	snop  }
0xe4: {  	[tilespmem:s16], [sflag:$0x2] =	stream.indirect.gather [hbm4b:s2+s6], $0x80, s19, s6, $0xb8;
	[tilespmem:$0x18400] =	vst v63  }
0xe5: {  	_ =	swait.ge [sflag:s17], $0x4000  }
0xe6: {  	[sflag:s17] =	ssyncset.done $0x0  }
0xe7: {  	[sflag:s17] =	ssyncadd.s32 $0xFFFFC000  }
0xe8: {  	_ =	swait.ge [sflag:s17], $0x4000  }
0xe9: {  	[sflag:s17] =	ssyncset.done $0x0  }
0xea: {  	[sflag:s17] =	ssyncadd.s32 $0xFFFFC000  }
0xeb: {  	[hbm4b:s22+s4] =	stream.linear.scatter [tilespmem:s14], [sflag:$0x3], $0x8000, $0x38;
	[tilespmem:$0x18400] =	vst v63  }
0xec: {  	_ =	swait.ge [sflag:s5], $0x8000  }
0xed: {  	[sflag:s5] =	ssyncset.done $0x0  }
0xee: {  	[sflag:s5] =	ssyncadd.s32 $0xFFFF8000  }
0xef: {  	[tilespmem:s13], [sflag:$0x3] =	stream.linear.gather [hbm4b:s23+s4], $0x200, $0x38;
	[tilespmem:$0x18400] =	vst v63  }
0xf0: {  	_ =	swait.ge [sflag:s5], $0x200  }
0xf1: {  	[sflag:s5] =	ssyncset.done $0x0  }
0xf2: {  	[sflag:s5] =	ssyncadd.s32 $0xFFFFFE00  }
0xf3: {  	[tilespmem:s14], [sflag:$0x2] =	stream.indirect.gather [hbm4b:s2+s6], $0x80, s13, s6, $0xb8;
	[tilespmem:$0x18400] =	vst v63  }
0xf4: {  	_ = 	snop  }
0xf5: {  	[tilespmem:s16], [sflag:$0x2] =	stream.indirect.gather [hbm4b:s2+s6], $0x80, s15, s6, $0xb8;
	[tilespmem:$0x18400] =	vst v63  }
0xf6: {  	_ =	swait.ge [sflag:s17], $0x4000  }
0xf7: {  	[sflag:s17] =	ssyncset.done $0x0  }
0xf8: {  	[sflag:s17] =	ssyncadd.s32 $0xFFFFC000  }
0xf9: {  	_ =	swait.ge [sflag:s17], $0x4000  }
0xfa: {  	[sflag:s17] =	ssyncset.done $0x0  }
0xfb: {  	[sflag:s17] =	ssyncadd.s32 $0xFFFFC000  }
0xfc: {  	[hbm4b:s24+s4] =	stream.linear.scatter [tilespmem:s14], [sflag:$0x3], $0x8000, $0x38;
	[tilespmem:$0x18400] =	vst v63  }
0xfd: {  	_ =	swait.ge [sflag:s5], $0x8000  }
0xfe: {  	[sflag:s5] =	ssyncset.done $0x0  }
0xff: {  	[sflag:s5] =	ssyncadd.s32 $0xFFFF8000  }
0x100: {  	[tilespmem:s14], [sflag:$0x2] =	stream.indirect.gather [hbm4b:s2+s6], $0x80, s18, s6, $0xb8;
	[tilespmem:$0x18400] =	vst v63  }
0x101: {  	_ = 	snop  }
0x102: {  	[tilespmem:s16], [sflag:$0x2] =	stream.indirect.gather [hbm4b:s2+s6], $0x80, s19, s6, $0xb8;
	[tilespmem:$0x18400] =	vst v63  }
0x103: {  	_ =	swait.ge [sflag:s17], $0x4000  }
0x104: {  	[sflag:s17] =	ssyncset.done $0x0  }
0x105: {  	[sflag:s17] =	ssyncadd.s32 $0xFFFFC000  }
0x106: {  	_ =	swait.ge [sflag:s17], $0x4000  }
0x107: {  	[sflag:s17] =	ssyncset.done $0x0  }
0x108: {  	[sflag:s17] =	ssyncadd.s32 $0xFFFFC000  }
0x109: {  	[hbm4b:s25+s4] =	stream.linear.scatter [tilespmem:s14], [sflag:$0x3], $0x8000, $0x38;
	[tilespmem:$0x18400] =	vst v63  }
0x10a: {  	_ =	swait.ge [sflag:s5], $0x8000  }
0x10b: {  	[sflag:s5] =	ssyncset.done $0x0  }
0x10c: {  	[sflag:s5] =	ssyncadd.s32 $0xFFFF8000  }
0x10d: {  	[tilespmem:s13], [sflag:$0x3] =	stream.linear.gather [hbm4b:s26+s4], $0x200, $0x38;
	[tilespmem:$0x18400] =	vst v63  }
0x10e: {  	_ =	swait.ge [sflag:s5], $0x200  }
0x10f: {  	[sflag:s5] =	ssyncset.done $0x0  }
0x110: {  	[sflag:s5] =	ssyncadd.s32 $0xFFFFFE00  }
0x111: {  	[tilespmem:s14], [sflag:$0x2] =	stream.indirect.gather [hbm4b:s2+s6], $0x80, s13, s6, $0xb8;
	[tilespmem:$0x18400] =	vst v63  }
0x112: {  	_ = 	snop  }
0x113: {  	[tilespmem:s16], [sflag:$0x2] =	stream.indirect.gather [hbm4b:s2+s6], $0x80, s15, s6, $0xb8;
	[tilespmem:$0x18400] =	vst v63  }
0x114: {  	_ =	swait.ge [sflag:s17], $0x4000  }
0x115: {  	[sflag:s17] =	ssyncset.done $0x0  }
0x116: {  	[sflag:s17] =	ssyncadd.s32 $0xFFFFC000  }
0x117: {  	_ =	swait.ge [sflag:s17], $0x4000  }
0x118: {  	[sflag:s17] =	ssyncset.done $0x0  }
0x119: {  	[sflag:s17] =	ssyncadd.s32 $0xFFFFC000  }
0x11a: {  	[hbm4b:s28+s4] =	stream.linear.scatter [tilespmem:s14], [sflag:$0x3], $0x8000, $0x38;
	[tilespmem:$0x18400] =	vst v63  }
0x11b: {  	_ =	swait.ge [sflag:s5], $0x8000  }
0x11c: {  	[sflag:s5] =	ssyncset.done $0x0  }
0x11d: {  	[sflag:s5] =	ssyncadd.s32 $0xFFFF8000  }
0x11e: {  	[tilespmem:s14], [sflag:$0x2] =	stream.indirect.gather [hbm4b:s2+s6], $0x80, s18, s6, $0xb8;
	[tilespmem:$0x18400] =	vst v63  }
0x11f: {  	_ = 	snop  }
0x120: {  	[tilespmem:s16], [sflag:$0x2] =	stream.indirect.gather [hbm4b:s2+s6], $0x80, s19, s6, $0xb8;
	[tilespmem:$0x18400] =	vst v63  }
0x121: {  	_ =	swait.ge [sflag:s17], $0x4000  }
0x122: {  	[sflag:s17] =	ssyncset.done $0x0  }
0x123: {  	[sflag:s17] =	ssyncadd.s32 $0xFFFFC000  }
0x124: {  	_ =	swait.ge [sflag:s17], $0x4000  }
0x125: {  	[sflag:s17] =	ssyncset.done $0x0  }
0x126: {  	[sflag:s17] =	ssyncadd.s32 $0xFFFFC000  }
0x127: {  	[hbm4b:s29+s4] =	stream.linear.scatter [tilespmem:s14], [sflag:$0x3], $0x8000, $0x38;
	[tilespmem:$0x18400] =	vst v63  }
0x128: {  	_ =	swait.ge [sflag:s5], $0x8000  }
0x129: {  	[sflag:s5] =	ssyncset.done $0x0  }
0x12a: {  	[sflag:s5] =	ssyncadd.s32 $0xFFFF8000  }
0x12b: {  	_ =	swait.ge [sflag:s30], $0x4000  }
0x12c: {  	[sflag:s30] =	ssyncset.done $0x0  }
0x12d: {  	[sflag:s30] =	ssyncadd.s32 $0xFFFFC000  }
0x12e: {  	_ =	swait.ge [sflag:s30], $0x4000  }
0x12f: {  	[sflag:s30] =	ssyncset.done $0x0  }
0x130: {  	[sflag:s30] =	ssyncadd.s32 $0xFFFFC000  }
0x131: {  	_ =	swait.ge [sflag:s30], $0x4000  }
0x132: {  	[sflag:s30] =	ssyncset.done $0x0  }
0x133: {  	p0 =	sne.s32 s3, $0x1;
	[sflag:s30] =	ssyncadd.s32 $0xFFFFC000  }
.Ltmp1:
0x134: {  	_ =	swait.ge [sflag:s30], $0x4000;
	(pc) =	sbr.rel @p0 .LBB2_1-.Ltmp1, $4  }
0x135: {  	[sflag:s30] =	ssyncset.done $0x0  }
0x136: {  	[sflag:s30] =	ssyncadd.s32 $0xFFFFC000  }
0x137: {  	[hbm4b:s31+s4] =	stream.linear.scatter [tilespmem:s7], [sflag:$0x3], $0x10000, $0x38;
	[tilespmem:$0x18400] =	vst v63  }
0x138: {  	s3 =	sadd.s32 $0xFFFFFFFF, s3;
	_ =	swait.ge [sflag:s5], $0x10000  }
.LBB2_2:
0x139: {  	[sflag:s5] =	ssyncset.done $0x0  }
0x13a: {  	[sflag:s5] =	ssyncadd.s32 $0xFFFF0000  }
0x13b: {  	_ =	sfence.sel $0x180000  }
0x13c: {  	[bflag:$0x0] =	sbarrier.arrive $0xFFFF  }
0x13d: {  	_ =	strace $0x90000047  }
0x13e: {  	s0 =	stileid.u32;
	[bflag:$0x2] =	sbarrier.arrive $0xFFFF  }
0x13f: {  	p0 =	sne.s32 s0, $0x0;
	s0 =	rddreg [dreg:$0xc]  }
0x140: {  	s0 =	sadd.s32 @!p0 $0x100000, s0  }
0x141: {  	[sflag:s0] =	ssyncadd.tile.s32 @!p0 $0x1;
	_ =	shalt  }
.Lfunc_end2:
_tile_overlayer_lowered:
.L_overlay_start_2:
0x142: {  	(tag) =	ssettag $0x2  }
0x143: {  	s0 =	rddreg [dreg:$0x0];
	s2 =	stileid.u32  }
0x144: {  	s1 =	rddreg [dreg:$0x1];
	p0 =	sne.s32 s2, $0x0  }
0x145: {  	s3 =	rddreg [dreg:$0x2];
	[bflag:$0x3] =	sbarrier.arrive $0xFFFF;
	s2 =	simm.s32 @!p0 $0x1C03  }
0x146: {  	[timem:s3], [sflag:s2] =	dma.local @!p0 [hbm:s0], s1  }
0x147: {  	s0 =	simm.s32 @!p0 $0x3  }
0x148: {  	_ =	swait.ge @!p0 [sflag:s0], s1  }
0x149: {  	s1 =	ssub.s32 @!p0 $0x0, s1;
	[sflag:s0] =	ssyncset.done @!p0 $0x0  }
0x14a: {  	[sflag:s0] =	ssyncadd.s32 @!p0 s1  }
0x14b: {  	[bflag:$0x3] =	sbarrier.arrive $0xFFFF  }
0x14c: {  	_ =	shalt  }

</sc_bundles>
